<compile_context>
chip_gen: v7x
topology: tpu7x:2x2x1
jax: 0.10.2.dev20260603
libtpu: 0.0.44.dev20260713+nightly
codegen_flags: <defaults>
</compile_context>

<pallas_src>
import functools

import jax
import jax.numpy as jnp
from jax import lax
from jax.experimental import pallas as pl
from jax.experimental.pallas import tpu as pltpu
from jax.experimental.pallas import tpu_sc as plsc

B, S = 4096, 200
D = 64
NW = 32
SEQ_PER_W = B // NW
G = 8
NGRP = SEQ_PER_W // G


def _make_kernel():
    mesh = plsc.VectorSubcoreMesh(core_axis_name="c", subcore_axis_name="s")

    @functools.partial(
        pl.kernel,
        out_type=jax.ShapeDtypeStruct((B, S, D), jnp.float32),
        mesh=mesh,
        scratch_types=[
            pltpu.VMEM((SEQ_PER_W, S), jnp.int32),
            pltpu.VMEM((G, S, D), jnp.float32),
            pltpu.SemaphoreType.DMA((G,)),
            pltpu.SemaphoreType.DMA,
        ],
        compiler_params=pltpu.CompilerParams(use_tc_tiling_on_sc=False),
    )
    def emb(tid_hbm, table_hbm, out_hbm, idx_v, rows_v, gsem, wsem):
        wid = lax.axis_index("s") * 2 + lax.axis_index("c")
        seq0 = wid * SEQ_PER_W
        pltpu.sync_copy(tid_hbm.at[pl.ds(seq0, SEQ_PER_W)], idx_v)

        def body(grp, _):
            r0 = grp * G
            gathers = [
                pltpu.async_copy(
                    table_hbm.at[idx_v.at[r0 + b]], rows_v.at[b], gsem.at[b]
                )
                for b in range(G)
            ]
            wbs = []
            for b in range(G):
                gathers[b].wait()
                wbs.append(
                    pltpu.async_copy(
                        rows_v.at[b], out_hbm.at[seq0 + r0 + b], wsem
                    )
                )
            for wb in wbs:
                wb.wait()
            return ()

        lax.fori_loop(0, NGRP, body, ())

    return emb


_emb = _make_kernel()


@jax.jit
def kernel(token_ids, weight):
    return _emb(token_ids, weight)

# --- scband reference (transcript-rebuilt; emitter-appended) ---
"""Pipeline reference for scband-embedding-37220186587426 (READ-ONLY COPY).

The authoritative reference and input builder live on the scoring server;
editing this copy changes nothing except your own understanding.
"""

import jax, jax.numpy as jnp
import numpy as np

def setup_inputs(seed: int = 0) -> dict:
    key = jax.random.key(seed)
    k1, k2 = jax.random.split(key)
    token_ids = jax.random.randint(k1, (4096, 200), 0, 1000000, dtype=jnp.int64 if jax.config.read('jax_enable_x64') else jnp.int32)
    weight = jax.random.normal(k2, (1000000, 64), dtype=jnp.float32)
    # trunc_normal_(mean=0, std=1, a=-3, b=3) approximated by clipping standard normal
    weight = jnp.clip(weight, -3.0, 3.0)
    return {"token_ids": token_ids, "weight": weight}

def reference(token_ids, weight):
    # Embedding lookup: weight[token_ids] -> [batch, seq, embedding_dim]
    return jnp.take(weight, token_ids, axis=0)

if __name__ == "__main__":
    import jax
    _d = setup_inputs()
    print(jax.jit(kernel)(*tuple(_d.values())))

</pallas_src>

<mosaic_0001>
#map = affine_map<(d0, d1) -> (0, 0)>
#map1 = affine_map<(d0, d1) -> (0, 0, 0)>
module attributes {stable_mosaic.version = 14 : i64} {
  func.func @emb(%arg0: i32, %arg1: i32, %arg2: memref<4096x200xi32, #tpu.memory_space<hbm>>, %arg3: memref<1000000x64xf32, #tpu.memory_space<hbm>>, %arg4: memref<4096x200x64xf32, #tpu.memory_space<hbm>>, %arg5: memref<128x200xi32, #tpu.memory_space<vmem>>, %arg6: memref<8x200x64xf32, #tpu.memory_space<vmem>>, %arg7: memref<8x!tpu.dma_semaphore, #tpu.memory_space<semaphore_mem>>, %arg8: memref<!tpu.dma_semaphore, #tpu.memory_space<semaphore_mem>>) attributes {dimension_semantics = [#tpu.dimension_semantics<core_parallel>, #tpu.dimension_semantics<subcore_parallel>], iteration_bounds = array<i64: 2, 16>, scalar_prefetch = 0 : i64, scratch_operands = 4 : i64, tpu.core_type = #tpu.core_type<sc_vector_subcore>, window_params = [{transform_indices = #map}, {transform_indices = #map}, {transform_indices = #map1}]} {
    %mul3A = arith.constant 2 : i32
    %mul3A_0 = arith.muli %arg1, %mul3A : i32
    %add3A = arith.addi %mul3A_0, %arg0 : i32
    %mul3A_1 = arith.constant 128 : i32
    %mul3A_2 = arith.muli %add3A, %mul3A_1 : i32
    "tpu.region"() ({
      %run_scoped3A = tpu.sem_alloc : memref<!tpu.dma_semaphore, #tpu.memory_space<semaphore_mem>>
      %dma_start3A = arith.constant 0 : i32
      %dma_start3A_7 = tpu.memref_slice %arg2[%mul3A_2, %dma_start3A] : memref<4096x200xi32, #tpu.memory_space<hbm>> -> memref<128x200xi32, #tpu.memory_space<hbm>>
      %dma_start3A_8 = arith.constant 0 : i32
      %dma_start3A_9 = tpu.memref_slice %arg2[%mul3A_2, %dma_start3A_8] : memref<4096x200xi32, #tpu.memory_space<hbm>> -> memref<128x200xi32, #tpu.memory_space<hbm>>
      tpu.enqueue_dma source(%dma_start3A_9 : memref<128x200xi32, #tpu.memory_space<hbm>>) target(%arg5 : memref<128x200xi32, #tpu.memory_space<vmem>>) target_semaphore(%run_scoped3A : memref<!tpu.dma_semaphore, #tpu.memory_space<semaphore_mem>>)
      %dma_wait3A = arith.constant 0 : i32
      %dma_wait3A_10 = tpu.memref_slice %arg2[%mul3A_2, %dma_wait3A] : memref<4096x200xi32, #tpu.memory_space<hbm>> -> memref<128x200xi32, #tpu.memory_space<hbm>>
      %dma_wait3A_11 = arith.constant 0 : i32
      %dma_wait3A_12 = tpu.memref_slice %arg2[%mul3A_2, %dma_wait3A_11] : memref<4096x200xi32, #tpu.memory_space<hbm>> -> memref<128x200xi32, #tpu.memory_space<hbm>>
      tpu.wait_dma2 semaphore(%run_scoped3A : memref<!tpu.dma_semaphore, #tpu.memory_space<semaphore_mem>>) src(%dma_wait3A_12 : memref<128x200xi32, #tpu.memory_space<hbm>>) dst(%arg5 : memref<128x200xi32, #tpu.memory_space<vmem>>)
      tpu.yield
    }) : () -> ()
    %scan3A = arith.constant 0 : i32
    %scan3A_3 = arith.constant 16 : i32
    %scan3A_4 = arith.addi %scan3A, %scan3A_3 : i32
    %scan3A_5 = arith.constant 1 : i32
    scf.for %scan3A_7 = %scan3A to %scan3A_4 step %scan3A_5  : i32 {
      %mul3A_8 = arith.constant 8 : i32
      %mul3A_9 = arith.muli %scan3A_7, %mul3A_8 : i32
      %add3A_10 = arith.constant 0 : i32
      %add3A_11 = arith.addi %mul3A_9, %add3A_10 : i32
      %dma_start3A = arith.constant 0 : i32
      %dma_start3A_12 = arith.constant 0 : i32
      %dma_start3A_13 = arith.constant 0 : i32
      %dma_start3A_14 = arith.constant 0 : i32
      %dma_start3A_15 = tpu.memref_slice %arg6[%dma_start3A, %dma_start3A_13, %dma_start3A_14] : memref<8x200x64xf32, #tpu.memory_space<vmem>> -> memref<1x200x64xf32, #tpu.memory_space<vmem>>
      %dma_start3A_16 = tpu.memref_squeeze %dma_start3A_15 : memref<1x200x64xf32, #tpu.memory_space<vmem>> -> memref<200x64xf32, #tpu.memory_space<vmem>>
      %dma_start3A_17 = arith.constant 0 : i32
      %dma_start3A_18 = tpu.memref_slice %arg5[%add3A_11, %dma_start3A_17] : memref<128x200xi32, #tpu.memory_space<vmem>> -> memref<1x200xi32, #tpu.memory_space<vmem>>
      %dma_start3A_19 = tpu.memref_squeeze %dma_start3A_18 : memref<1x200xi32, #tpu.memory_space<vmem>> -> memref<200xi32, #tpu.memory_space<vmem>>
      %dma_start3A_20 = arith.constant 0 : i32
      %dma_start3A_21 = arith.constant 0 : i32
      %dma_start3A_22 = tpu.memref_slice %arg3[%dma_start3A_20, %dma_start3A_21] : memref<1000000x64xf32, #tpu.memory_space<hbm>> -> memref<1000000x64xf32, #tpu.memory_space<hbm>>
      %dma_start3A_23 = tpu.memref_slice %arg7[%dma_start3A_12] : memref<8x!tpu.dma_semaphore, #tpu.memory_space<semaphore_mem>> -> memref<1x!tpu.dma_semaphore, #tpu.memory_space<semaphore_mem>>
      %dma_start3A_24 = tpu.memref_squeeze %dma_start3A_23 : memref<1x!tpu.dma_semaphore, #tpu.memory_space<semaphore_mem>> -> memref<!tpu.dma_semaphore, #tpu.memory_space<semaphore_mem>>
      tpu.enqueue_indirect_dma source(%dma_start3A_22 : memref<1000000x64xf32, #tpu.memory_space<hbm>>) target(%dma_start3A_16 : memref<200x64xf32, #tpu.memory_space<vmem>>) offsets(%dma_start3A_19 : memref<200xi32, #tpu.memory_space<vmem>>) semaphore(%dma_start3A_24 : memref<!tpu.dma_semaphore, #tpu.memory_space<semaphore_mem>>)
      %add3A_25 = arith.constant 1 : i32
      %add3A_26 = arith.addi %mul3A_9, %add3A_25 : i32
      %dma_start3A_27 = arith.constant 1 : i32
      %dma_start3A_28 = arith.constant 1 : i32
      %dma_start3A_29 = arith.constant 0 : i32
      %dma_start3A_30 = arith.constant 0 : i32
      %dma_start3A_31 = tpu.memref_slice %arg6[%dma_start3A_27, %dma_start3A_29, %dma_start3A_30] : memref<8x200x64xf32, #tpu.memory_space<vmem>> -> memref<1x200x64xf32, #tpu.memory_space<vmem>>
      %dma_start3A_32 = tpu.memref_squeeze %dma_start3A_31 : memref<1x200x64xf32, #tpu.memory_space<vmem>> -> memref<200x64xf32, #tpu.memory_space<vmem>>
      %dma_start3A_33 = arith.constant 0 : i32
      %dma_start3A_34 = tpu.memref_slice %arg5[%add3A_26, %dma_start3A_33] : memref<128x200xi32, #tpu.memory_space<vmem>> -> memref<1x200xi32, #tpu.memory_space<vmem>>
      %dma_start3A_35 = tpu.memref_squeeze %dma_start3A_34 : memref<1x200xi32, #tpu.memory_space<vmem>> -> memref<200xi32, #tpu.memory_space<vmem>>
      %dma_start3A_36 = arith.constant 0 : i32
      %dma_start3A_37 = arith.constant 0 : i32
      %dma_start3A_38 = tpu.memref_slice %arg3[%dma_start3A_36, %dma_start3A_37] : memref<1000000x64xf32, #tpu.memory_space<hbm>> -> memref<1000000x64xf32, #tpu.memory_space<hbm>>
      %dma_start3A_39 = tpu.memref_slice %arg7[%dma_start3A_28] : memref<8x!tpu.dma_semaphore, #tpu.memory_space<semaphore_mem>> -> memref<1x!tpu.dma_semaphore, #tpu.memory_space<semaphore_mem>>
      %dma_start3A_40 = tpu.memref_squeeze %dma_start3A_39 : memref<1x!tpu.dma_semaphore, #tpu.memory_space<semaphore_mem>> -> memref<!tpu.dma_semaphore, #tpu.memory_space<semaphore_mem>>
      tpu.enqueue_indirect_dma source(%dma_start3A_38 : memref<1000000x64xf32, #tpu.memory_space<hbm>>) target(%dma_start3A_32 : memref<200x64xf32, #tpu.memory_space<vmem>>) offsets(%dma_start3A_35 : memref<200xi32, #tpu.memory_space<vmem>>) semaphore(%dma_start3A_40 : memref<!tpu.dma_semaphore, #tpu.memory_space<semaphore_mem>>)
      %add3A_41 = arith.constant 2 : i32
      %add3A_42 = arith.addi %mul3A_9, %add3A_41 : i32
      %dma_start3A_43 = arith.constant 2 : i32
      %dma_start3A_44 = arith.constant 2 : i32
      %dma_start3A_45 = arith.constant 0 : i32
      %dma_start3A_46 = arith.constant 0 : i32
      %dma_start3A_47 = tpu.memref_slice %arg6[%dma_start3A_43, %dma_start3A_45, %dma_start3A_46] : memref<8x200x64xf32, #tpu.memory_space<vmem>> -> memref<1x200x64xf32, #tpu.memory_space<vmem>>
      %dma_start3A_48 = tpu.memref_squeeze %dma_start3A_47 : memref<1x200x64xf32, #tpu.memory_space<vmem>> -> memref<200x64xf32, #tpu.memory_space<vmem>>
      %dma_start3A_49 = arith.constant 0 : i32
      %dma_start3A_50 = tpu.memref_slice %arg5[%add3A_42, %dma_start3A_49] : memref<128x200xi32, #tpu.memory_space<vmem>> -> memref<1x200xi32, #tpu.memory_space<vmem>>
      %dma_start3A_51 = tpu.memref_squeeze %dma_start3A_50 : memref<1x200xi32, #tpu.memory_space<vmem>> -> memref<200xi32, #tpu.memory_space<vmem>>
      %dma_start3A_52 = arith.constant 0 : i32
      %dma_start3A_53 = arith.constant 0 : i32
      %dma_start3A_54 = tpu.memref_slice %arg3[%dma_start3A_52, %dma_start3A_53] : memref<1000000x64xf32, #tpu.memory_space<hbm>> -> memref<1000000x64xf32, #tpu.memory_space<hbm>>
      %dma_start3A_55 = tpu.memref_slice %arg7[%dma_start3A_44] : memref<8x!tpu.dma_semaphore, #tpu.memory_space<semaphore_mem>> -> memref<1x!tpu.dma_semaphore, #tpu.memory_space<semaphore_mem>>
      %dma_start3A_56 = tpu.memref_squeeze %dma_start3A_55 : memref<1x!tpu.dma_semaphore, #tpu.memory_space<semaphore_mem>> -> memref<!tpu.dma_semaphore, #tpu.memory_space<semaphore_mem>>
      tpu.enqueue_indirect_dma source(%dma_start3A_54 : memref<1000000x64xf32, #tpu.memory_space<hbm>>) target(%dma_start3A_48 : memref<200x64xf32, #tpu.memory_space<vmem>>) offsets(%dma_start3A_51 : memref<200xi32, #tpu.memory_space<vmem>>) semaphore(%dma_start3A_56 : memref<!tpu.dma_semaphore, #tpu.memory_space<semaphore_mem>>)
      %add3A_57 = arith.constant 3 : i32
      %add3A_58 = arith.addi %mul3A_9, %add3A_57 : i32
      %dma_start3A_59 = arith.constant 3 : i32
      %dma_start3A_60 = arith.constant 3 : i32
      %dma_start3A_61 = arith.constant 0 : i32
      %dma_start3A_62 = arith.constant 0 : i32
      %dma_start3A_63 = tpu.memref_slice %arg6[%dma_start3A_59, %dma_start3A_61, %dma_start3A_62] : memref<8x200x64xf32, #tpu.memory_space<vmem>> -> memref<1x200x64xf32, #tpu.memory_space<vmem>>
      %dma_start3A_64 = tpu.memref_squeeze %dma_start3A_63 : memref<1x200x64xf32, #tpu.memory_space<vmem>> -> memref<200x64xf32, #tpu.memory_space<vmem>>
      %dma_start3A_65 = arith.constant 0 : i32
      %dma_start3A_66 = tpu.memref_slice %arg5[%add3A_58, %dma_start3A_65] : memref<128x200xi32, #tpu.memory_space<vmem>> -> memref<1x200xi32, #tpu.memory_space<vmem>>
      %dma_start3A_67 = tpu.memref_squeeze %dma_start3A_66 : memref<1x200xi32, #tpu.memory_space<vmem>> -> memref<200xi32, #tpu.memory_space<vmem>>
      %dma_start3A_68 = arith.constant 0 : i32
      %dma_start3A_69 = arith.constant 0 : i32
      %dma_start3A_70 = tpu.memref_slice %arg3[%dma_start3A_68, %dma_start3A_69] : memref<1000000x64xf32, #tpu.memory_space<hbm>> -> memref<1000000x64xf32, #tpu.memory_space<hbm>>
      %dma_start3A_71 = tpu.memref_slice %arg7[%dma_start3A_60] : memref<8x!tpu.dma_semaphore, #tpu.memory_space<semaphore_mem>> -> memref<1x!tpu.dma_semaphore, #tpu.memory_space<semaphore_mem>>
      %dma_start3A_72 = tpu.memref_squeeze %dma_start3A_71 : memref<1x!tpu.dma_semaphore, #tpu.memory_space<semaphore_mem>> -> memref<!tpu.dma_semaphore, #tpu.memory_space<semaphore_mem>>
      tpu.enqueue_indirect_dma source(%dma_start3A_70 : memref<1000000x64xf32, #tpu.memory_space<hbm>>) target(%dma_start3A_64 : memref<200x64xf32, #tpu.memory_space<vmem>>) offsets(%dma_start3A_67 : memref<200xi32, #tpu.memory_space<vmem>>) semaphore(%dma_start3A_72 : memref<!tpu.dma_semaphore, #tpu.memory_space<semaphore_mem>>)
      %add3A_73 = arith.constant 4 : i32
      %add3A_74 = arith.addi %mul3A_9, %add3A_73 : i32
      %dma_start3A_75 = arith.constant 4 : i32
      %dma_start3A_76 = arith.constant 4 : i32
      %dma_start3A_77 = arith.constant 0 : i32
      %dma_start3A_78 = arith.constant 0 : i32
      %dma_start3A_79 = tpu.memref_slice %arg6[%dma_start3A_75, %dma_start3A_77, %dma_start3A_78] : memref<8x200x64xf32, #tpu.memory_space<vmem>> -> memref<1x200x64xf32, #tpu.memory_space<vmem>>
      %dma_start3A_80 = tpu.memref_squeeze %dma_start3A_79 : memref<1x200x64xf32, #tpu.memory_space<vmem>> -> memref<200x64xf32, #tpu.memory_space<vmem>>
      %dma_start3A_81 = arith.constant 0 : i32
      %dma_start3A_82 = tpu.memref_slice %arg5[%add3A_74, %dma_start3A_81] : memref<128x200xi32, #tpu.memory_space<vmem>> -> memref<1x200xi32, #tpu.memory_space<vmem>>
      %dma_start3A_83 = tpu.memref_squeeze %dma_start3A_82 : memref<1x200xi32, #tpu.memory_space<vmem>> -> memref<200xi32, #tpu.memory_space<vmem>>
      %dma_start3A_84 = arith.constant 0 : i32
      %dma_start3A_85 = arith.constant 0 : i32
      %dma_start3A_86 = tpu.memref_slice %arg3[%dma_start3A_84, %dma_start3A_85] : memref<1000000x64xf32, #tpu.memory_space<hbm>> -> memref<1000000x64xf32, #tpu.memory_space<hbm>>
      %dma_start3A_87 = tpu.memref_slice %arg7[%dma_start3A_76] : memref<8x!tpu.dma_semaphore, #tpu.memory_space<semaphore_mem>> -> memref<1x!tpu.dma_semaphore, #tpu.memory_space<semaphore_mem>>
      %dma_start3A_88 = tpu.memref_squeeze %dma_start3A_87 : memref<1x!tpu.dma_semaphore, #tpu.memory_space<semaphore_mem>> -> memref<!tpu.dma_semaphore, #tpu.memory_space<semaphore_mem>>
      tpu.enqueue_indirect_dma source(%dma_start3A_86 : memref<1000000x64xf32, #tpu.memory_space<hbm>>) target(%dma_start3A_80 : memref<200x64xf32, #tpu.memory_space<vmem>>) offsets(%dma_start3A_83 : memref<200xi32, #tpu.memory_space<vmem>>) semaphore(%dma_start3A_88 : memref<!tpu.dma_semaphore, #tpu.memory_space<semaphore_mem>>)
      %add3A_89 = arith.constant 5 : i32
      %add3A_90 = arith.addi %mul3A_9, %add3A_89 : i32
      %dma_start3A_91 = arith.constant 5 : i32
      %dma_start3A_92 = arith.constant 5 : i32
      %dma_start3A_93 = arith.constant 0 : i32
      %dma_start3A_94 = arith.constant 0 : i32
      %dma_start3A_95 = tpu.memref_slice %arg6[%dma_start3A_91, %dma_start3A_93, %dma_start3A_94] : memref<8x200x64xf32, #tpu.memory_space<vmem>> -> memref<1x200x64xf32, #tpu.memory_space<vmem>>
      %dma_start3A_96 = tpu.memref_squeeze %dma_start3A_95 : memref<1x200x64xf32, #tpu.memory_space<vmem>> -> memref<200x64xf32, #tpu.memory_space<vmem>>
      %dma_start3A_97 = arith.constant 0 : i32
      %dma_start3A_98 = tpu.memref_slice %arg5[%add3A_90, %dma_start3A_97] : memref<128x200xi32, #tpu.memory_space<vmem>> -> memref<1x200xi32, #tpu.memory_space<vmem>>
      %dma_start3A_99 = tpu.memref_squeeze %dma_start3A_98 : memref<1x200xi32, #tpu.memory_space<vmem>> -> memref<200xi32, #tpu.memory_space<vmem>>
      %dma_start3A_100 = arith.constant 0 : i32
      %dma_start3A_101 = arith.constant 0 : i32
      %dma_start3A_102 = tpu.memref_slice %arg3[%dma_start3A_100, %dma_start3A_101] : memref<1000000x64xf32, #tpu.memory_space<hbm>> -> memref<1000000x64xf32, #tpu.memory_space<hbm>>
      %dma_start3A_103 = tpu.memref_slice %arg7[%dma_start3A_92] : memref<8x!tpu.dma_semaphore, #tpu.memory_space<semaphore_mem>> -> memref<1x!tpu.dma_semaphore, #tpu.memory_space<semaphore_mem>>
      %dma_start3A_104 = tpu.memref_squeeze %dma_start3A_103 : memref<1x!tpu.dma_semaphore, #tpu.memory_space<semaphore_mem>> -> memref<!tpu.dma_semaphore, #tpu.memory_space<semaphore_mem>>
      tpu.enqueue_indirect_dma source(%dma_start3A_102 : memref<1000000x64xf32, #tpu.memory_space<hbm>>) target(%dma_start3A_96 : memref<200x64xf32, #tpu.memory_space<vmem>>) offsets(%dma_start3A_99 : memref<200xi32, #tpu.memory_space<vmem>>) semaphore(%dma_start3A_104 : memref<!tpu.dma_semaphore, #tpu.memory_space<semaphore_mem>>)
      %add3A_105 = arith.constant 6 : i32
      %add3A_106 = arith.addi %mul3A_9, %add3A_105 : i32
      %dma_start3A_107 = arith.constant 6 : i32
      %dma_start3A_108 = arith.constant 6 : i32
      %dma_start3A_109 = arith.constant 0 : i32
      %dma_start3A_110 = arith.constant 0 : i32
      %dma_start3A_111 = tpu.memref_slice %arg6[%dma_start3A_107, %dma_start3A_109, %dma_start3A_110] : memref<8x200x64xf32, #tpu.memory_space<vmem>> -> memref<1x200x64xf32, #tpu.memory_space<vmem>>
      %dma_start3A_112 = tpu.memref_squeeze %dma_start3A_111 : memref<1x200x64xf32, #tpu.memory_space<vmem>> -> memref<200x64xf32, #tpu.memory_space<vmem>>
      %dma_start3A_113 = arith.constant 0 : i32
      %dma_start3A_114 = tpu.memref_slice %arg5[%add3A_106, %dma_start3A_113] : memref<128x200xi32, #tpu.memory_space<vmem>> -> memref<1x200xi32, #tpu.memory_space<vmem>>
      %dma_start3A_115 = tpu.memref_squeeze %dma_start3A_114 : memref<1x200xi32, #tpu.memory_space<vmem>> -> memref<200xi32, #tpu.memory_space<vmem>>
      %dma_start3A_116 = arith.constant 0 : i32
      %dma_start3A_117 = arith.constant 0 : i32
      %dma_start3A_118 = tpu.memref_slice %arg3[%dma_start3A_116, %dma_start3A_117] : memref<1000000x64xf32, #tpu.memory_space<hbm>> -> memref<1000000x64xf32, #tpu.memory_space<hbm>>
      %dma_start3A_119 = tpu.memref_slice %arg7[%dma_start3A_108] : memref<8x!tpu.dma_semaphore, #tpu.memory_space<semaphore_mem>> -> memref<1x!tpu.dma_semaphore, #tpu.memory_space<semaphore_mem>>
      %dma_start3A_120 = tpu.memref_squeeze %dma_start3A_119 : memref<1x!tpu.dma_semaphore, #tpu.memory_space<semaphore_mem>> -> memref<!tpu.dma_semaphore, #tpu.memory_space<semaphore_mem>>
      tpu.enqueue_indirect_dma source(%dma_start3A_118 : memref<1000000x64xf32, #tpu.memory_space<hbm>>) target(%dma_start3A_112 : memref<200x64xf32, #tpu.memory_space<vmem>>) offsets(%dma_start3A_115 : memref<200xi32, #tpu.memory_space<vmem>>) semaphore(%dma_start3A_120 : memref<!tpu.dma_semaphore, #tpu.memory_space<semaphore_mem>>)
      %add3A_121 = arith.constant 7 : i32
      %add3A_122 = arith.addi %mul3A_9, %add3A_121 : i32
      %dma_start3A_123 = arith.constant 7 : i32
      %dma_start3A_124 = arith.constant 7 : i32
      %dma_start3A_125 = arith.constant 0 : i32
      %dma_start3A_126 = arith.constant 0 : i32
      %dma_start3A_127 = tpu.memref_slice %arg6[%dma_start3A_123, %dma_start3A_125, %dma_start3A_126] : memref<8x200x64xf32, #tpu.memory_space<vmem>> -> memref<1x200x64xf32, #tpu.memory_space<vmem>>
      %dma_start3A_128 = tpu.memref_squeeze %dma_start3A_127 : memref<1x200x64xf32, #tpu.memory_space<vmem>> -> memref<200x64xf32, #tpu.memory_space<vmem>>
      %dma_start3A_129 = arith.constant 0 : i32
      %dma_start3A_130 = tpu.memref_slice %arg5[%add3A_122, %dma_start3A_129] : memref<128x200xi32, #tpu.memory_space<vmem>> -> memref<1x200xi32, #tpu.memory_space<vmem>>
      %dma_start3A_131 = tpu.memref_squeeze %dma_start3A_130 : memref<1x200xi32, #tpu.memory_space<vmem>> -> memref<200xi32, #tpu.memory_space<vmem>>
      %dma_start3A_132 = arith.constant 0 : i32
      %dma_start3A_133 = arith.constant 0 : i32
      %dma_start3A_134 = tpu.memref_slice %arg3[%dma_start3A_132, %dma_start3A_133] : memref<1000000x64xf32, #tpu.memory_space<hbm>> -> memref<1000000x64xf32, #tpu.memory_space<hbm>>
      %dma_start3A_135 = tpu.memref_slice %arg7[%dma_start3A_124] : memref<8x!tpu.dma_semaphore, #tpu.memory_space<semaphore_mem>> -> memref<1x!tpu.dma_semaphore, #tpu.memory_space<semaphore_mem>>
      %dma_start3A_136 = tpu.memref_squeeze %dma_start3A_135 : memref<1x!tpu.dma_semaphore, #tpu.memory_space<semaphore_mem>> -> memref<!tpu.dma_semaphore, #tpu.memory_space<semaphore_mem>>
      tpu.enqueue_indirect_dma source(%dma_start3A_134 : memref<1000000x64xf32, #tpu.memory_space<hbm>>) target(%dma_start3A_128 : memref<200x64xf32, #tpu.memory_space<vmem>>) offsets(%dma_start3A_131 : memref<200xi32, #tpu.memory_space<vmem>>) semaphore(%dma_start3A_136 : memref<!tpu.dma_semaphore, #tpu.memory_space<semaphore_mem>>)
      %dma_wait3A = arith.constant 0 : i32
      %dma_wait3A_137 = arith.constant 0 : i32
      %dma_wait3A_138 = arith.constant 0 : i32
      %dma_wait3A_139 = arith.constant 0 : i32
      %dma_wait3A_140 = tpu.memref_slice %arg6[%dma_wait3A, %dma_wait3A_138, %dma_wait3A_139] : memref<8x200x64xf32, #tpu.memory_space<vmem>> -> memref<1x200x64xf32, #tpu.memory_space<vmem>>
      %dma_wait3A_141 = tpu.memref_squeeze %dma_wait3A_140 : memref<1x200x64xf32, #tpu.memory_space<vmem>> -> memref<200x64xf32, #tpu.memory_space<vmem>>
      %dma_wait3A_142 = arith.constant 0 : i32
      %dma_wait3A_143 = tpu.memref_slice %arg5[%add3A_11, %dma_wait3A_142] : memref<128x200xi32, #tpu.memory_space<vmem>> -> memref<1x200xi32, #tpu.memory_space<vmem>>
      %dma_wait3A_144 = tpu.memref_squeeze %dma_wait3A_143 : memref<1x200xi32, #tpu.memory_space<vmem>> -> memref<200xi32, #tpu.memory_space<vmem>>
      %dma_wait3A_145 = arith.constant 0 : i32
      %dma_wait3A_146 = arith.constant 0 : i32
      %dma_wait3A_147 = tpu.memref_slice %arg3[%dma_wait3A_145, %dma_wait3A_146] : memref<1000000x64xf32, #tpu.memory_space<hbm>> -> memref<1000000x64xf32, #tpu.memory_space<hbm>>
      %dma_wait3A_148 = tpu.memref_slice %arg7[%dma_wait3A_137] : memref<8x!tpu.dma_semaphore, #tpu.memory_space<semaphore_mem>> -> memref<1x!tpu.dma_semaphore, #tpu.memory_space<semaphore_mem>>
      %dma_wait3A_149 = tpu.memref_squeeze %dma_wait3A_148 : memref<1x!tpu.dma_semaphore, #tpu.memory_space<semaphore_mem>> -> memref<!tpu.dma_semaphore, #tpu.memory_space<semaphore_mem>>
      tpu.wait_indirect_dma semaphore(%dma_wait3A_149 : memref<!tpu.dma_semaphore, #tpu.memory_space<semaphore_mem>>) src(%dma_wait3A_147 : memref<1000000x64xf32, #tpu.memory_space<hbm>>) dst(%dma_wait3A_141 : memref<200x64xf32, #tpu.memory_space<vmem>>)
      %add3A_150 = arith.addi %mul3A_2, %mul3A_9 : i32
      %add3A_151 = arith.constant 0 : i32
      %add3A_152 = arith.addi %add3A_150, %add3A_151 : i32
      %dma_start3A_153 = arith.constant 0 : i32
      %dma_start3A_154 = arith.constant 0 : i32
      %dma_start3A_155 = arith.constant 0 : i32
      %dma_start3A_156 = tpu.memref_slice %arg6[%dma_start3A_153, %dma_start3A_154, %dma_start3A_155] : memref<8x200x64xf32, #tpu.memory_space<vmem>> -> memref<1x200x64xf32, #tpu.memory_space<vmem>>
      %dma_start3A_157 = tpu.memref_squeeze %dma_start3A_156 : memref<1x200x64xf32, #tpu.memory_space<vmem>> -> memref<200x64xf32, #tpu.memory_space<vmem>>
      %dma_start3A_158 = arith.constant 0 : i32
      %dma_start3A_159 = arith.constant 0 : i32
      %dma_start3A_160 = tpu.memref_slice %arg4[%add3A_152, %dma_start3A_158, %dma_start3A_159] : memref<4096x200x64xf32, #tpu.memory_space<hbm>> -> memref<1x200x64xf32, #tpu.memory_space<hbm>>
      %dma_start3A_161 = tpu.memref_squeeze %dma_start3A_160 : memref<1x200x64xf32, #tpu.memory_space<hbm>> -> memref<200x64xf32, #tpu.memory_space<hbm>>
      %dma_start3A_162 = arith.constant 0 : i32
      %dma_start3A_163 = arith.constant 0 : i32
      %dma_start3A_164 = tpu.memref_slice %arg4[%add3A_152, %dma_start3A_162, %dma_start3A_163] : memref<4096x200x64xf32, #tpu.memory_space<hbm>> -> memref<1x200x64xf32, #tpu.memory_space<hbm>>
      %dma_start3A_165 = tpu.memref_squeeze %dma_start3A_164 : memref<1x200x64xf32, #tpu.memory_space<hbm>> -> memref<200x64xf32, #tpu.memory_space<hbm>>
      %dma_start3A_166 = arith.constant 0 : i32
      %dma_start3A_167 = arith.constant 0 : i32
      %dma_start3A_168 = tpu.memref_slice %arg6[%dma_start3A_153, %dma_start3A_166, %dma_start3A_167] : memref<8x200x64xf32, #tpu.memory_space<vmem>> -> memref<1x200x64xf32, #tpu.memory_space<vmem>>
      %dma_start3A_169 = tpu.memref_squeeze %dma_start3A_168 : memref<1x200x64xf32, #tpu.memory_space<vmem>> -> memref<200x64xf32, #tpu.memory_space<vmem>>
      tpu.enqueue_dma source(%dma_start3A_169 : memref<200x64xf32, #tpu.memory_space<vmem>>) target(%dma_start3A_165 : memref<200x64xf32, #tpu.memory_space<hbm>>) target_semaphore(%arg8 : memref<!tpu.dma_semaphore, #tpu.memory_space<semaphore_mem>>)
      %dma_wait3A_170 = arith.constant 1 : i32
      %dma_wait3A_171 = arith.constant 1 : i32
      %dma_wait3A_172 = arith.constant 0 : i32
      %dma_wait3A_173 = arith.constant 0 : i32
      %dma_wait3A_174 = tpu.memref_slice %arg6[%dma_wait3A_170, %dma_wait3A_172, %dma_wait3A_173] : memref<8x200x64xf32, #tpu.memory_space<vmem>> -> memref<1x200x64xf32, #tpu.memory_space<vmem>>
      %dma_wait3A_175 = tpu.memref_squeeze %dma_wait3A_174 : memref<1x200x64xf32, #tpu.memory_space<vmem>> -> memref<200x64xf32, #tpu.memory_space<vmem>>
      %dma_wait3A_176 = arith.constant 0 : i32
      %dma_wait3A_177 = tpu.memref_slice %arg5[%add3A_26, %dma_wait3A_176] : memref<128x200xi32, #tpu.memory_space<vmem>> -> memref<1x200xi32, #tpu.memory_space<vmem>>
      %dma_wait3A_178 = tpu.memref_squeeze %dma_wait3A_177 : memref<1x200xi32, #tpu.memory_space<vmem>> -> memref<200xi32, #tpu.memory_space<vmem>>
      %dma_wait3A_179 = arith.constant 0 : i32
      %dma_wait3A_180 = arith.constant 0 : i32
      %dma_wait3A_181 = tpu.memref_slice %arg3[%dma_wait3A_179, %dma_wait3A_180] : memref<1000000x64xf32, #tpu.memory_space<hbm>> -> memref<1000000x64xf32, #tpu.memory_space<hbm>>
      %dma_wait3A_182 = tpu.memref_slice %arg7[%dma_wait3A_171] : memref<8x!tpu.dma_semaphore, #tpu.memory_space<semaphore_mem>> -> memref<1x!tpu.dma_semaphore, #tpu.memory_space<semaphore_mem>>
      %dma_wait3A_183 = tpu.memref_squeeze %dma_wait3A_182 : memref<1x!tpu.dma_semaphore, #tpu.memory_space<semaphore_mem>> -> memref<!tpu.dma_semaphore, #tpu.memory_space<semaphore_mem>>
      tpu.wait_indirect_dma semaphore(%dma_wait3A_183 : memref<!tpu.dma_semaphore, #tpu.memory_space<semaphore_mem>>) src(%dma_wait3A_181 : memref<1000000x64xf32, #tpu.memory_space<hbm>>) dst(%dma_wait3A_175 : memref<200x64xf32, #tpu.memory_space<vmem>>)
      %add3A_184 = arith.addi %mul3A_2, %mul3A_9 : i32
      %add3A_185 = arith.constant 1 : i32
      %add3A_186 = arith.addi %add3A_184, %add3A_185 : i32
      %dma_start3A_187 = arith.constant 1 : i32
      %dma_start3A_188 = arith.constant 0 : i32
      %dma_start3A_189 = arith.constant 0 : i32
      %dma_start3A_190 = tpu.memref_slice %arg6[%dma_start3A_187, %dma_start3A_188, %dma_start3A_189] : memref<8x200x64xf32, #tpu.memory_space<vmem>> -> memref<1x200x64xf32, #tpu.memory_space<vmem>>
      %dma_start3A_191 = tpu.memref_squeeze %dma_start3A_190 : memref<1x200x64xf32, #tpu.memory_space<vmem>> -> memref<200x64xf32, #tpu.memory_space<vmem>>
      %dma_start3A_192 = arith.constant 0 : i32
      %dma_start3A_193 = arith.constant 0 : i32
      %dma_start3A_194 = tpu.memref_slice %arg4[%add3A_186, %dma_start3A_192, %dma_start3A_193] : memref<4096x200x64xf32, #tpu.memory_space<hbm>> -> memref<1x200x64xf32, #tpu.memory_space<hbm>>
      %dma_start3A_195 = tpu.memref_squeeze %dma_start3A_194 : memref<1x200x64xf32, #tpu.memory_space<hbm>> -> memref<200x64xf32, #tpu.memory_space<hbm>>
      %dma_start3A_196 = arith.constant 0 : i32
      %dma_start3A_197 = arith.constant 0 : i32
      %dma_start3A_198 = tpu.memref_slice %arg4[%add3A_186, %dma_start3A_196, %dma_start3A_197] : memref<4096x200x64xf32, #tpu.memory_space<hbm>> -> memref<1x200x64xf32, #tpu.memory_space<hbm>>
      %dma_start3A_199 = tpu.memref_squeeze %dma_start3A_198 : memref<1x200x64xf32, #tpu.memory_space<hbm>> -> memref<200x64xf32, #tpu.memory_space<hbm>>
      %dma_start3A_200 = arith.constant 0 : i32
      %dma_start3A_201 = arith.constant 0 : i32
      %dma_start3A_202 = tpu.memref_slice %arg6[%dma_start3A_187, %dma_start3A_200, %dma_start3A_201] : memref<8x200x64xf32, #tpu.memory_space<vmem>> -> memref<1x200x64xf32, #tpu.memory_space<vmem>>
      %dma_start3A_203 = tpu.memref_squeeze %dma_start3A_202 : memref<1x200x64xf32, #tpu.memory_space<vmem>> -> memref<200x64xf32, #tpu.memory_space<vmem>>
      tpu.enqueue_dma source(%dma_start3A_203 : memref<200x64xf32, #tpu.memory_space<vmem>>) target(%dma_start3A_199 : memref<200x64xf32, #tpu.memory_space<hbm>>) target_semaphore(%arg8 : memref<!tpu.dma_semaphore, #tpu.memory_space<semaphore_mem>>)
      %dma_wait3A_204 = arith.constant 2 : i32
      %dma_wait3A_205 = arith.constant 2 : i32
      %dma_wait3A_206 = arith.constant 0 : i32
      %dma_wait3A_207 = arith.constant 0 : i32
      %dma_wait3A_208 = tpu.memref_slice %arg6[%dma_wait3A_204, %dma_wait3A_206, %dma_wait3A_207] : memref<8x200x64xf32, #tpu.memory_space<vmem>> -> memref<1x200x64xf32, #tpu.memory_space<vmem>>
      %dma_wait3A_209 = tpu.memref_squeeze %dma_wait3A_208 : memref<1x200x64xf32, #tpu.memory_space<vmem>> -> memref<200x64xf32, #tpu.memory_space<vmem>>
      %dma_wait3A_210 = arith.constant 0 : i32
      %dma_wait3A_211 = tpu.memref_slice %arg5[%add3A_42, %dma_wait3A_210] : memref<128x200xi32, #tpu.memory_space<vmem>> -> memref<1x200xi32, #tpu.memory_space<vmem>>
      %dma_wait3A_212 = tpu.memref_squeeze %dma_wait3A_211 : memref<1x200xi32, #tpu.memory_space<vmem>> -> memref<200xi32, #tpu.memory_space<vmem>>
      %dma_wait3A_213 = arith.constant 0 : i32
      %dma_wait3A_214 = arith.constant 0 : i32
      %dma_wait3A_215 = tpu.memref_slice %arg3[%dma_wait3A_213, %dma_wait3A_214] : memref<1000000x64xf32, #tpu.memory_space<hbm>> -> memref<1000000x64xf32, #tpu.memory_space<hbm>>
      %dma_wait3A_216 = tpu.memref_slice %arg7[%dma_wait3A_205] : memref<8x!tpu.dma_semaphore, #tpu.memory_space<semaphore_mem>> -> memref<1x!tpu.dma_semaphore, #tpu.memory_space<semaphore_mem>>
      %dma_wait3A_217 = tpu.memref_squeeze %dma_wait3A_216 : memref<1x!tpu.dma_semaphore, #tpu.memory_space<semaphore_mem>> -> memref<!tpu.dma_semaphore, #tpu.memory_space<semaphore_mem>>
      tpu.wait_indirect_dma semaphore(%dma_wait3A_217 : memref<!tpu.dma_semaphore, #tpu.memory_space<semaphore_mem>>) src(%dma_wait3A_215 : memref<1000000x64xf32, #tpu.memory_space<hbm>>) dst(%dma_wait3A_209 : memref<200x64xf32, #tpu.memory_space<vmem>>)
      %add3A_218 = arith.addi %mul3A_2, %mul3A_9 : i32
      %add3A_219 = arith.constant 2 : i32
      %add3A_220 = arith.addi %add3A_218, %add3A_219 : i32
      %dma_start3A_221 = arith.constant 2 : i32
      %dma_start3A_222 = arith.constant 0 : i32
      %dma_start3A_223 = arith.constant 0 : i32
      %dma_start3A_224 = tpu.memref_slice %arg6[%dma_start3A_221, %dma_start3A_222, %dma_start3A_223] : memref<8x200x64xf32, #tpu.memory_space<vmem>> -> memref<1x200x64xf32, #tpu.memory_space<vmem>>
      %dma_start3A_225 = tpu.memref_squeeze %dma_start3A_224 : memref<1x200x64xf32, #tpu.memory_space<vmem>> -> memref<200x64xf32, #tpu.memory_space<vmem>>
      %dma_start3A_226 = arith.constant 0 : i32
      %dma_start3A_227 = arith.constant 0 : i32
      %dma_start3A_228 = tpu.memref_slice %arg4[%add3A_220, %dma_start3A_226, %dma_start3A_227] : memref<4096x200x64xf32, #tpu.memory_space<hbm>> -> memref<1x200x64xf32, #tpu.memory_space<hbm>>
      %dma_start3A_229 = tpu.memref_squeeze %dma_start3A_228 : memref<1x200x64xf32, #tpu.memory_space<hbm>> -> memref<200x64xf32, #tpu.memory_space<hbm>>
      %dma_start3A_230 = arith.constant 0 : i32
      %dma_start3A_231 = arith.constant 0 : i32
      %dma_start3A_232 = tpu.memref_slice %arg4[%add3A_220, %dma_start3A_230, %dma_start3A_231] : memref<4096x200x64xf32, #tpu.memory_space<hbm>> -> memref<1x200x64xf32, #tpu.memory_space<hbm>>
      %dma_start3A_233 = tpu.memref_squeeze %dma_start3A_232 : memref<1x200x64xf32, #tpu.memory_space<hbm>> -> memref<200x64xf32, #tpu.memory_space<hbm>>
      %dma_start3A_234 = arith.constant 0 : i32
      %dma_start3A_235 = arith.constant 0 : i32
      %dma_start3A_236 = tpu.memref_slice %arg6[%dma_start3A_221, %dma_start3A_234, %dma_start3A_235] : memref<8x200x64xf32, #tpu.memory_space<vmem>> -> memref<1x200x64xf32, #tpu.memory_space<vmem>>
      %dma_start3A_237 = tpu.memref_squeeze %dma_start3A_236 : memref<1x200x64xf32, #tpu.memory_space<vmem>> -> memref<200x64xf32, #tpu.memory_space<vmem>>
      tpu.enqueue_dma source(%dma_start3A_237 : memref<200x64xf32, #tpu.memory_space<vmem>>) target(%dma_start3A_233 : memref<200x64xf32, #tpu.memory_space<hbm>>) target_semaphore(%arg8 : memref<!tpu.dma_semaphore, #tpu.memory_space<semaphore_mem>>)
      %dma_wait3A_238 = arith.constant 3 : i32
      %dma_wait3A_239 = arith.constant 3 : i32
      %dma_wait3A_240 = arith.constant 0 : i32
      %dma_wait3A_241 = arith.constant 0 : i32
      %dma_wait3A_242 = tpu.memref_slice %arg6[%dma_wait3A_238, %dma_wait3A_240, %dma_wait3A_241] : memref<8x200x64xf32, #tpu.memory_space<vmem>> -> memref<1x200x64xf32, #tpu.memory_space<vmem>>
      %dma_wait3A_243 = tpu.memref_squeeze %dma_wait3A_242 : memref<1x200x64xf32, #tpu.memory_space<vmem>> -> memref<200x64xf32, #tpu.memory_space<vmem>>
      %dma_wait3A_244 = arith.constant 0 : i32
      %dma_wait3A_245 = tpu.memref_slice %arg5[%add3A_58, %dma_wait3A_244] : memref<128x200xi32, #tpu.memory_space<vmem>> -> memref<1x200xi32, #tpu.memory_space<vmem>>
      %dma_wait3A_246 = tpu.memref_squeeze %dma_wait3A_245 : memref<1x200xi32, #tpu.memory_space<vmem>> -> memref<200xi32, #tpu.memory_space<vmem>>
      %dma_wait3A_247 = arith.constant 0 : i32
      %dma_wait3A_248 = arith.constant 0 : i32
      %dma_wait3A_249 = tpu.memref_slice %arg3[%dma_wait3A_247, %dma_wait3A_248] : memref<1000000x64xf32, #tpu.memory_space<hbm>> -> memref<1000000x64xf32, #tpu.memory_space<hbm>>
      %dma_wait3A_250 = tpu.memref_slice %arg7[%dma_wait3A_239] : memref<8x!tpu.dma_semaphore, #tpu.memory_space<semaphore_mem>> -> memref<1x!tpu.dma_semaphore, #tpu.memory_space<semaphore_mem>>
      %dma_wait3A_251 = tpu.memref_squeeze %dma_wait3A_250 : memref<1x!tpu.dma_semaphore, #tpu.memory_space<semaphore_mem>> -> memref<!tpu.dma_semaphore, #tpu.memory_space<semaphore_mem>>
      tpu.wait_indirect_dma semaphore(%dma_wait3A_251 : memref<!tpu.dma_semaphore, #tpu.memory_space<semaphore_mem>>) src(%dma_wait3A_249 : memref<1000000x64xf32, #tpu.memory_space<hbm>>) dst(%dma_wait3A_243 : memref<200x64xf32, #tpu.memory_space<vmem>>)
      %add3A_252 = arith.addi %mul3A_2, %mul3A_9 : i32
      %add3A_253 = arith.constant 3 : i32
      %add3A_254 = arith.addi %add3A_252, %add3A_253 : i32
      %dma_start3A_255 = arith.constant 3 : i32
      %dma_start3A_256 = arith.constant 0 : i32
      %dma_start3A_257 = arith.constant 0 : i32
      %dma_start3A_258 = tpu.memref_slice %arg6[%dma_start3A_255, %dma_start3A_256, %dma_start3A_257] : memref<8x200x64xf32, #tpu.memory_space<vmem>> -> memref<1x200x64xf32, #tpu.memory_space<vmem>>
      %dma_start3A_259 = tpu.memref_squeeze %dma_start3A_258 : memref<1x200x64xf32, #tpu.memory_space<vmem>> -> memref<200x64xf32, #tpu.memory_space<vmem>>
      %dma_start3A_260 = arith.constant 0 : i32
      %dma_start3A_261 = arith.constant 0 : i32
      %dma_start3A_262 = tpu.memref_slice %arg4[%add3A_254, %dma_start3A_260, %dma_start3A_261] : memref<4096x200x64xf32, #tpu.memory_space<hbm>> -> memref<1x200x64xf32, #tpu.memory_space<hbm>>
      %dma_start3A_263 = tpu.memref_squeeze %dma_start3A_262 : memref<1x200x64xf32, #tpu.memory_space<hbm>> -> memref<200x64xf32, #tpu.memory_space<hbm>>
      %dma_start3A_264 = arith.constant 0 : i32
      %dma_start3A_265 = arith.constant 0 : i32
      %dma_start3A_266 = tpu.memref_slice %arg4[%add3A_254, %dma_start3A_264, %dma_start3A_265] : memref<4096x200x64xf32, #tpu.memory_space<hbm>> -> memref<1x200x64xf32, #tpu.memory_space<hbm>>
      %dma_start3A_267 = tpu.memref_squeeze %dma_start3A_266 : memref<1x200x64xf32, #tpu.memory_space<hbm>> -> memref<200x64xf32, #tpu.memory_space<hbm>>
      %dma_start3A_268 = arith.constant 0 : i32
      %dma_start3A_269 = arith.constant 0 : i32
      %dma_start3A_270 = tpu.memref_slice %arg6[%dma_start3A_255, %dma_start3A_268, %dma_start3A_269] : memref<8x200x64xf32, #tpu.memory_space<vmem>> -> memref<1x200x64xf32, #tpu.memory_space<vmem>>
      %dma_start3A_271 = tpu.memref_squeeze %dma_start3A_270 : memref<1x200x64xf32, #tpu.memory_space<vmem>> -> memref<200x64xf32, #tpu.memory_space<vmem>>
      tpu.enqueue_dma source(%dma_start3A_271 : memref<200x64xf32, #tpu.memory_space<vmem>>) target(%dma_start3A_267 : memref<200x64xf32, #tpu.memory_space<hbm>>) target_semaphore(%arg8 : memref<!tpu.dma_semaphore, #tpu.memory_space<semaphore_mem>>)
      %dma_wait3A_272 = arith.constant 4 : i32
      %dma_wait3A_273 = arith.constant 4 : i32
      %dma_wait3A_274 = arith.constant 0 : i32
      %dma_wait3A_275 = arith.constant 0 : i32
      %dma_wait3A_276 = tpu.memref_slice %arg6[%dma_wait3A_272, %dma_wait3A_274, %dma_wait3A_275] : memref<8x200x64xf32, #tpu.memory_space<vmem>> -> memref<1x200x64xf32, #tpu.memory_space<vmem>>
      %dma_wait3A_277 = tpu.memref_squeeze %dma_wait3A_276 : memref<1x200x64xf32, #tpu.memory_space<vmem>> -> memref<200x64xf32, #tpu.memory_space<vmem>>
      %dma_wait3A_278 = arith.constant 0 : i32
      %dma_wait3A_279 = tpu.memref_slice %arg5[%add3A_74, %dma_wait3A_278] : memref<128x200xi32, #tpu.memory_space<vmem>> -> memref<1x200xi32, #tpu.memory_space<vmem>>
      %dma_wait3A_280 = tpu.memref_squeeze %dma_wait3A_279 : memref<1x200xi32, #tpu.memory_space<vmem>> -> memref<200xi32, #tpu.memory_space<vmem>>
      %dma_wait3A_281 = arith.constant 0 : i32
      %dma_wait3A_282 = arith.constant 0 : i32
      %dma_wait3A_283 = tpu.memref_slice %arg3[%dma_wait3A_281, %dma_wait3A_282] : memref<1000000x64xf32, #tpu.memory_space<hbm>> -> memref<1000000x64xf32, #tpu.memory_space<hbm>>
      %dma_wait3A_284 = tpu.memref_slice %arg7[%dma_wait3A_273] : memref<8x!tpu.dma_semaphore, #tpu.memory_space<semaphore_mem>> -> memref<1x!tpu.dma_semaphore, #tpu.memory_space<semaphore_mem>>
      %dma_wait3A_285 = tpu.memref_squeeze %dma_wait3A_284 : memref<1x!tpu.dma_semaphore, #tpu.memory_space<semaphore_mem>> -> memref<!tpu.dma_semaphore, #tpu.memory_space<semaphore_mem>>
      tpu.wait_indirect_dma semaphore(%dma_wait3A_285 : memref<!tpu.dma_semaphore, #tpu.memory_space<semaphore_mem>>) src(%dma_wait3A_283 : memref<1000000x64xf32, #tpu.memory_space<hbm>>) dst(%dma_wait3A_277 : memref<200x64xf32, #tpu.memory_space<vmem>>)
      %add3A_286 = arith.addi %mul3A_2, %mul3A_9 : i32
      %add3A_287 = arith.constant 4 : i32
      %add3A_288 = arith.addi %add3A_286, %add3A_287 : i32
      %dma_start3A_289 = arith.constant 4 : i32
      %dma_start3A_290 = arith.constant 0 : i32
      %dma_start3A_291 = arith.constant 0 : i32
      %dma_start3A_292 = tpu.memref_slice %arg6[%dma_start3A_289, %dma_start3A_290, %dma_start3A_291] : memref<8x200x64xf32, #tpu.memory_space<vmem>> -> memref<1x200x64xf32, #tpu.memory_space<vmem>>
      %dma_start3A_293 = tpu.memref_squeeze %dma_start3A_292 : memref<1x200x64xf32, #tpu.memory_space<vmem>> -> memref<200x64xf32, #tpu.memory_space<vmem>>
      %dma_start3A_294 = arith.constant 0 : i32
      %dma_start3A_295 = arith.constant 0 : i32
      %dma_start3A_296 = tpu.memref_slice %arg4[%add3A_288, %dma_start3A_294, %dma_start3A_295] : memref<4096x200x64xf32, #tpu.memory_space<hbm>> -> memref<1x200x64xf32, #tpu.memory_space<hbm>>
      %dma_start3A_297 = tpu.memref_squeeze %dma_start3A_296 : memref<1x200x64xf32, #tpu.memory_space<hbm>> -> memref<200x64xf32, #tpu.memory_space<hbm>>
      %dma_start3A_298 = arith.constant 0 : i32
      %dma_start3A_299 = arith.constant 0 : i32
      %dma_start3A_300 = tpu.memref_slice %arg4[%add3A_288, %dma_start3A_298, %dma_start3A_299] : memref<4096x200x64xf32, #tpu.memory_space<hbm>> -> memref<1x200x64xf32, #tpu.memory_space<hbm>>
      %dma_start3A_301 = tpu.memref_squeeze %dma_start3A_300 : memref<1x200x64xf32, #tpu.memory_space<hbm>> -> memref<200x64xf32, #tpu.memory_space<hbm>>
      %dma_start3A_302 = arith.constant 0 : i32
      %dma_start3A_303 = arith.constant 0 : i32
      %dma_start3A_304 = tpu.memref_slice %arg6[%dma_start3A_289, %dma_start3A_302, %dma_start3A_303] : memref<8x200x64xf32, #tpu.memory_space<vmem>> -> memref<1x200x64xf32, #tpu.memory_space<vmem>>
      %dma_start3A_305 = tpu.memref_squeeze %dma_start3A_304 : memref<1x200x64xf32, #tpu.memory_space<vmem>> -> memref<200x64xf32, #tpu.memory_space<vmem>>
      tpu.enqueue_dma source(%dma_start3A_305 : memref<200x64xf32, #tpu.memory_space<vmem>>) target(%dma_start3A_301 : memref<200x64xf32, #tpu.memory_space<hbm>>) target_semaphore(%arg8 : memref<!tpu.dma_semaphore, #tpu.memory_space<semaphore_mem>>)
      %dma_wait3A_306 = arith.constant 5 : i32
      %dma_wait3A_307 = arith.constant 5 : i32
      %dma_wait3A_308 = arith.constant 0 : i32
      %dma_wait3A_309 = arith.constant 0 : i32
      %dma_wait3A_310 = tpu.memref_slice %arg6[%dma_wait3A_306, %dma_wait3A_308, %dma_wait3A_309] : memref<8x200x64xf32, #tpu.memory_space<vmem>> -> memref<1x200x64xf32, #tpu.memory_space<vmem>>
      %dma_wait3A_311 = tpu.memref_squeeze %dma_wait3A_310 : memref<1x200x64xf32, #tpu.memory_space<vmem>> -> memref<200x64xf32, #tpu.memory_space<vmem>>
      %dma_wait3A_312 = arith.constant 0 : i32
      %dma_wait3A_313 = tpu.memref_slice %arg5[%add3A_90, %dma_wait3A_312] : memref<128x200xi32, #tpu.memory_space<vmem>> -> memref<1x200xi32, #tpu.memory_space<vmem>>
      %dma_wait3A_314 = tpu.memref_squeeze %dma_wait3A_313 : memref<1x200xi32, #tpu.memory_space<vmem>> -> memref<200xi32, #tpu.memory_space<vmem>>
      %dma_wait3A_315 = arith.constant 0 : i32
      %dma_wait3A_316 = arith.constant 0 : i32
      %dma_wait3A_317 = tpu.memref_slice %arg3[%dma_wait3A_315, %dma_wait3A_316] : memref<1000000x64xf32, #tpu.memory_space<hbm>> -> memref<1000000x64xf32, #tpu.memory_space<hbm>>
      %dma_wait3A_318 = tpu.memref_slice %arg7[%dma_wait3A_307] : memref<8x!tpu.dma_semaphore, #tpu.memory_space<semaphore_mem>> -> memref<1x!tpu.dma_semaphore, #tpu.memory_space<semaphore_mem>>
      %dma_wait3A_319 = tpu.memref_squeeze %dma_wait3A_318 : memref<1x!tpu.dma_semaphore, #tpu.memory_space<semaphore_mem>> -> memref<!tpu.dma_semaphore, #tpu.memory_space<semaphore_mem>>
      tpu.wait_indirect_dma semaphore(%dma_wait3A_319 : memref<!tpu.dma_semaphore, #tpu.memory_space<semaphore_mem>>) src(%dma_wait3A_317 : memref<1000000x64xf32, #tpu.memory_space<hbm>>) dst(%dma_wait3A_311 : memref<200x64xf32, #tpu.memory_space<vmem>>)
      %add3A_320 = arith.addi %mul3A_2, %mul3A_9 : i32
      %add3A_321 = arith.constant 5 : i32
      %add3A_322 = arith.addi %add3A_320, %add3A_321 : i32
      %dma_start3A_323 = arith.constant 5 : i32
      %dma_start3A_324 = arith.constant 0 : i32
      %dma_start3A_325 = arith.constant 0 : i32
      %dma_start3A_326 = tpu.memref_slice %arg6[%dma_start3A_323, %dma_start3A_324, %dma_start3A_325] : memref<8x200x64xf32, #tpu.memory_space<vmem>> -> memref<1x200x64xf32, #tpu.memory_space<vmem>>
      %dma_start3A_327 = tpu.memref_squeeze %dma_start3A_326 : memref<1x200x64xf32, #tpu.memory_space<vmem>> -> memref<200x64xf32, #tpu.memory_space<vmem>>
      %dma_start3A_328 = arith.constant 0 : i32
      %dma_start3A_329 = arith.constant 0 : i32
      %dma_start3A_330 = tpu.memref_slice %arg4[%add3A_322, %dma_start3A_328, %dma_start3A_329] : memref<4096x200x64xf32, #tpu.memory_space<hbm>> -> memref<1x200x64xf32, #tpu.memory_space<hbm>>
      %dma_start3A_331 = tpu.memref_squeeze %dma_start3A_330 : memref<1x200x64xf32, #tpu.memory_space<hbm>> -> memref<200x64xf32, #tpu.memory_space<hbm>>
      %dma_start3A_332 = arith.constant 0 : i32
      %dma_start3A_333 = arith.constant 0 : i32
      %dma_start3A_334 = tpu.memref_slice %arg4[%add3A_322, %dma_start3A_332, %dma_start3A_333] : memref<4096x200x64xf32, #tpu.memory_space<hbm>> -> memref<1x200x64xf32, #tpu.memory_space<hbm>>
      %dma_start3A_335 = tpu.memref_squeeze %dma_start3A_334 : memref<1x200x64xf32, #tpu.memory_space<hbm>> -> memref<200x64xf32, #tpu.memory_space<hbm>>
      %dma_start3A_336 = arith.constant 0 : i32
      %dma_start3A_337 = arith.constant 0 : i32
      %dma_start3A_338 = tpu.memref_slice %arg6[%dma_start3A_323, %dma_start3A_336, %dma_start3A_337] : memref<8x200x64xf32, #tpu.memory_space<vmem>> -> memref<1x200x64xf32, #tpu.memory_space<vmem>>
      %dma_start3A_339 = tpu.memref_squeeze %dma_start3A_338 : memref<1x200x64xf32, #tpu.memory_space<vmem>> -> memref<200x64xf32, #tpu.memory_space<vmem>>
      tpu.enqueue_dma source(%dma_start3A_339 : memref<200x64xf32, #tpu.memory_space<vmem>>) target(%dma_start3A_335 : memref<200x64xf32, #tpu.memory_space<hbm>>) target_semaphore(%arg8 : memref<!tpu.dma_semaphore, #tpu.memory_space<semaphore_mem>>)
      %dma_wait3A_340 = arith.constant 6 : i32
      %dma_wait3A_341 = arith.constant 6 : i32
      %dma_wait3A_342 = arith.constant 0 : i32
      %dma_wait3A_343 = arith.constant 0 : i32
      %dma_wait3A_344 = tpu.memref_slice %arg6[%dma_wait3A_340, %dma_wait3A_342, %dma_wait3A_343] : memref<8x200x64xf32, #tpu.memory_space<vmem>> -> memref<1x200x64xf32, #tpu.memory_space<vmem>>
      %dma_wait3A_345 = tpu.memref_squeeze %dma_wait3A_344 : memref<1x200x64xf32, #tpu.memory_space<vmem>> -> memref<200x64xf32, #tpu.memory_space<vmem>>
      %dma_wait3A_346 = arith.constant 0 : i32
      %dma_wait3A_347 = tpu.memref_slice %arg5[%add3A_106, %dma_wait3A_346] : memref<128x200xi32, #tpu.memory_space<vmem>> -> memref<1x200xi32, #tpu.memory_space<vmem>>
      %dma_wait3A_348 = tpu.memref_squeeze %dma_wait3A_347 : memref<1x200xi32, #tpu.memory_space<vmem>> -> memref<200xi32, #tpu.memory_space<vmem>>
      %dma_wait3A_349 = arith.constant 0 : i32
      %dma_wait3A_350 = arith.constant 0 : i32
      %dma_wait3A_351 = tpu.memref_slice %arg3[%dma_wait3A_349, %dma_wait3A_350] : memref<1000000x64xf32, #tpu.memory_space<hbm>> -> memref<1000000x64xf32, #tpu.memory_space<hbm>>
      %dma_wait3A_352 = tpu.memref_slice %arg7[%dma_wait3A_341] : memref<8x!tpu.dma_semaphore, #tpu.memory_space<semaphore_mem>> -> memref<1x!tpu.dma_semaphore, #tpu.memory_space<semaphore_mem>>
      %dma_wait3A_353 = tpu.memref_squeeze %dma_wait3A_352 : memref<1x!tpu.dma_semaphore, #tpu.memory_space<semaphore_mem>> -> memref<!tpu.dma_semaphore, #tpu.memory_space<semaphore_mem>>
      tpu.wait_indirect_dma semaphore(%dma_wait3A_353 : memref<!tpu.dma_semaphore, #tpu.memory_space<semaphore_mem>>) src(%dma_wait3A_351 : memref<1000000x64xf32, #tpu.memory_space<hbm>>) dst(%dma_wait3A_345 : memref<200x64xf32, #tpu.memory_space<vmem>>)
      %add3A_354 = arith.addi %mul3A_2, %mul3A_9 : i32
      %add3A_355 = arith.constant 6 : i32
      %add3A_356 = arith.addi %add3A_354, %add3A_355 : i32
      %dma_start3A_357 = arith.constant 6 : i32
      %dma_start3A_358 = arith.constant 0 : i32
      %dma_start3A_359 = arith.constant 0 : i32
      %dma_start3A_360 = tpu.memref_slice %arg6[%dma_start3A_357, %dma_start3A_358, %dma_start3A_359] : memref<8x200x64xf32, #tpu.memory_space<vmem>> -> memref<1x200x64xf32, #tpu.memory_space<vmem>>
      %dma_start3A_361 = tpu.memref_squeeze %dma_start3A_360 : memref<1x200x64xf32, #tpu.memory_space<vmem>> -> memref<200x64xf32, #tpu.memory_space<vmem>>
      %dma_start3A_362 = arith.constant 0 : i32
      %dma_start3A_363 = arith.constant 0 : i32
      %dma_start3A_364 = tpu.memref_slice %arg4[%add3A_356, %dma_start3A_362, %dma_start3A_363] : memref<4096x200x64xf32, #tpu.memory_space<hbm>> -> memref<1x200x64xf32, #tpu.memory_space<hbm>>
      %dma_start3A_365 = tpu.memref_squeeze %dma_start3A_364 : memref<1x200x64xf32, #tpu.memory_space<hbm>> -> memref<200x64xf32, #tpu.memory_space<hbm>>
      %dma_start3A_366 = arith.constant 0 : i32
      %dma_start3A_367 = arith.constant 0 : i32
      %dma_start3A_368 = tpu.memref_slice %arg4[%add3A_356, %dma_start3A_366, %dma_start3A_367] : memref<4096x200x64xf32, #tpu.memory_space<hbm>> -> memref<1x200x64xf32, #tpu.memory_space<hbm>>
      %dma_start3A_369 = tpu.memref_squeeze %dma_start3A_368 : memref<1x200x64xf32, #tpu.memory_space<hbm>> -> memref<200x64xf32, #tpu.memory_space<hbm>>
      %dma_start3A_370 = arith.constant 0 : i32
      %dma_start3A_371 = arith.constant 0 : i32
      %dma_start3A_372 = tpu.memref_slice %arg6[%dma_start3A_357, %dma_start3A_370, %dma_start3A_371] : memref<8x200x64xf32, #tpu.memory_space<vmem>> -> memref<1x200x64xf32, #tpu.memory_space<vmem>>
      %dma_start3A_373 = tpu.memref_squeeze %dma_start3A_372 : memref<1x200x64xf32, #tpu.memory_space<vmem>> -> memref<200x64xf32, #tpu.memory_space<vmem>>
      tpu.enqueue_dma source(%dma_start3A_373 : memref<200x64xf32, #tpu.memory_space<vmem>>) target(%dma_start3A_369 : memref<200x64xf32, #tpu.memory_space<hbm>>) target_semaphore(%arg8 : memref<!tpu.dma_semaphore, #tpu.memory_space<semaphore_mem>>)
      %dma_wait3A_374 = arith.constant 7 : i32
      %dma_wait3A_375 = arith.constant 7 : i32
      %dma_wait3A_376 = arith.constant 0 : i32
      %dma_wait3A_377 = arith.constant 0 : i32
      %dma_wait3A_378 = tpu.memref_slice %arg6[%dma_wait3A_374, %dma_wait3A_376, %dma_wait3A_377] : memref<8x200x64xf32, #tpu.memory_space<vmem>> -> memref<1x200x64xf32, #tpu.memory_space<vmem>>
      %dma_wait3A_379 = tpu.memref_squeeze %dma_wait3A_378 : memref<1x200x64xf32, #tpu.memory_space<vmem>> -> memref<200x64xf32, #tpu.memory_space<vmem>>
      %dma_wait3A_380 = arith.constant 0 : i32
      %dma_wait3A_381 = tpu.memref_slice %arg5[%add3A_122, %dma_wait3A_380] : memref<128x200xi32, #tpu.memory_space<vmem>> -> memref<1x200xi32, #tpu.memory_space<vmem>>
      %dma_wait3A_382 = tpu.memref_squeeze %dma_wait3A_381 : memref<1x200xi32, #tpu.memory_space<vmem>> -> memref<200xi32, #tpu.memory_space<vmem>>
      %dma_wait3A_383 = arith.constant 0 : i32
      %dma_wait3A_384 = arith.constant 0 : i32
      %dma_wait3A_385 = tpu.memref_slice %arg3[%dma_wait3A_383, %dma_wait3A_384] : memref<1000000x64xf32, #tpu.memory_space<hbm>> -> memref<1000000x64xf32, #tpu.memory_space<hbm>>
      %dma_wait3A_386 = tpu.memref_slice %arg7[%dma_wait3A_375] : memref<8x!tpu.dma_semaphore, #tpu.memory_space<semaphore_mem>> -> memref<1x!tpu.dma_semaphore, #tpu.memory_space<semaphore_mem>>
      %dma_wait3A_387 = tpu.memref_squeeze %dma_wait3A_386 : memref<1x!tpu.dma_semaphore, #tpu.memory_space<semaphore_mem>> -> memref<!tpu.dma_semaphore, #tpu.memory_space<semaphore_mem>>
      tpu.wait_indirect_dma semaphore(%dma_wait3A_387 : memref<!tpu.dma_semaphore, #tpu.memory_space<semaphore_mem>>) src(%dma_wait3A_385 : memref<1000000x64xf32, #tpu.memory_space<hbm>>) dst(%dma_wait3A_379 : memref<200x64xf32, #tpu.memory_space<vmem>>)
      %add3A_388 = arith.addi %mul3A_2, %mul3A_9 : i32
      %add3A_389 = arith.constant 7 : i32
      %add3A_390 = arith.addi %add3A_388, %add3A_389 : i32
      %dma_start3A_391 = arith.constant 7 : i32
      %dma_start3A_392 = arith.constant 0 : i32
      %dma_start3A_393 = arith.constant 0 : i32
      %dma_start3A_394 = tpu.memref_slice %arg6[%dma_start3A_391, %dma_start3A_392, %dma_start3A_393] : memref<8x200x64xf32, #tpu.memory_space<vmem>> -> memref<1x200x64xf32, #tpu.memory_space<vmem>>
      %dma_start3A_395 = tpu.memref_squeeze %dma_start3A_394 : memref<1x200x64xf32, #tpu.memory_space<vmem>> -> memref<200x64xf32, #tpu.memory_space<vmem>>
      %dma_start3A_396 = arith.constant 0 : i32
      %dma_start3A_397 = arith.constant 0 : i32
      %dma_start3A_398 = tpu.memref_slice %arg4[%add3A_390, %dma_start3A_396, %dma_start3A_397] : memref<4096x200x64xf32, #tpu.memory_space<hbm>> -> memref<1x200x64xf32, #tpu.memory_space<hbm>>
      %dma_start3A_399 = tpu.memref_squeeze %dma_start3A_398 : memref<1x200x64xf32, #tpu.memory_space<hbm>> -> memref<200x64xf32, #tpu.memory_space<hbm>>
      %dma_start3A_400 = arith.constant 0 : i32
      %dma_start3A_401 = arith.constant 0 : i32
      %dma_start3A_402 = tpu.memref_slice %arg4[%add3A_390, %dma_start3A_400, %dma_start3A_401] : memref<4096x200x64xf32, #tpu.memory_space<hbm>> -> memref<1x200x64xf32, #tpu.memory_space<hbm>>
      %dma_start3A_403 = tpu.memref_squeeze %dma_start3A_402 : memref<1x200x64xf32, #tpu.memory_space<hbm>> -> memref<200x64xf32, #tpu.memory_space<hbm>>
      %dma_start3A_404 = arith.constant 0 : i32
      %dma_start3A_405 = arith.constant 0 : i32
      %dma_start3A_406 = tpu.memref_slice %arg6[%dma_start3A_391, %dma_start3A_404, %dma_start3A_405] : memref<8x200x64xf32, #tpu.memory_space<vmem>> -> memref<1x200x64xf32, #tpu.memory_space<vmem>>
      %dma_start3A_407 = tpu.memref_squeeze %dma_start3A_406 : memref<1x200x64xf32, #tpu.memory_space<vmem>> -> memref<200x64xf32, #tpu.memory_space<vmem>>
      tpu.enqueue_dma source(%dma_start3A_407 : memref<200x64xf32, #tpu.memory_space<vmem>>) target(%dma_start3A_403 : memref<200x64xf32, #tpu.memory_space<hbm>>) target_semaphore(%arg8 : memref<!tpu.dma_semaphore, #tpu.memory_space<semaphore_mem>>)
      %dma_wait3A_408 = arith.constant 0 : i32
      %dma_wait3A_409 = arith.constant 0 : i32
      %dma_wait3A_410 = arith.constant 0 : i32
      %dma_wait3A_411 = tpu.memref_slice %arg6[%dma_wait3A_408, %dma_wait3A_409, %dma_wait3A_410] : memref<8x200x64xf32, #tpu.memory_space<vmem>> -> memref<1x200x64xf32, #tpu.memory_space<vmem>>
      %dma_wait3A_412 = tpu.memref_squeeze %dma_wait3A_411 : memref<1x200x64xf32, #tpu.memory_space<vmem>> -> memref<200x64xf32, #tpu.memory_space<vmem>>
      %dma_wait3A_413 = arith.constant 0 : i32
      %dma_wait3A_414 = arith.constant 0 : i32
      %dma_wait3A_415 = tpu.memref_slice %arg4[%add3A_152, %dma_wait3A_413, %dma_wait3A_414] : memref<4096x200x64xf32, #tpu.memory_space<hbm>> -> memref<1x200x64xf32, #tpu.memory_space<hbm>>
      %dma_wait3A_416 = tpu.memref_squeeze %dma_wait3A_415 : memref<1x200x64xf32, #tpu.memory_space<hbm>> -> memref<200x64xf32, #tpu.memory_space<hbm>>
      %dma_wait3A_417 = arith.constant 0 : i32
      %dma_wait3A_418 = arith.constant 0 : i32
      %dma_wait3A_419 = tpu.memref_slice %arg4[%add3A_152, %dma_wait3A_417, %dma_wait3A_418] : memref<4096x200x64xf32, #tpu.memory_space<hbm>> -> memref<1x200x64xf32, #tpu.memory_space<hbm>>
      %dma_wait3A_420 = tpu.memref_squeeze %dma_wait3A_419 : memref<1x200x64xf32, #tpu.memory_space<hbm>> -> memref<200x64xf32, #tpu.memory_space<hbm>>
      %dma_wait3A_421 = arith.constant 0 : i32
      %dma_wait3A_422 = arith.constant 0 : i32
      %dma_wait3A_423 = tpu.memref_slice %arg6[%dma_wait3A_408, %dma_wait3A_421, %dma_wait3A_422] : memref<8x200x64xf32, #tpu.memory_space<vmem>> -> memref<1x200x64xf32, #tpu.memory_space<vmem>>
      %dma_wait3A_424 = tpu.memref_squeeze %dma_wait3A_423 : memref<1x200x64xf32, #tpu.memory_space<vmem>> -> memref<200x64xf32, #tpu.memory_space<vmem>>
      tpu.wait_dma2 semaphore(%arg8 : memref<!tpu.dma_semaphore, #tpu.memory_space<semaphore_mem>>) src(%dma_wait3A_424 : memref<200x64xf32, #tpu.memory_space<vmem>>) dst(%dma_wait3A_420 : memref<200x64xf32, #tpu.memory_space<hbm>>)
      %dma_wait3A_425 = arith.constant 1 : i32
      %dma_wait3A_426 = arith.constant 0 : i32
      %dma_wait3A_427 = arith.constant 0 : i32
      %dma_wait3A_428 = tpu.memref_slice %arg6[%dma_wait3A_425, %dma_wait3A_426, %dma_wait3A_427] : memref<8x200x64xf32, #tpu.memory_space<vmem>> -> memref<1x200x64xf32, #tpu.memory_space<vmem>>
      %dma_wait3A_429 = tpu.memref_squeeze %dma_wait3A_428 : memref<1x200x64xf32, #tpu.memory_space<vmem>> -> memref<200x64xf32, #tpu.memory_space<vmem>>
      %dma_wait3A_430 = arith.constant 0 : i32
      %dma_wait3A_431 = arith.constant 0 : i32
      %dma_wait3A_432 = tpu.memref_slice %arg4[%add3A_186, %dma_wait3A_430, %dma_wait3A_431] : memref<4096x200x64xf32, #tpu.memory_space<hbm>> -> memref<1x200x64xf32, #tpu.memory_space<hbm>>
      %dma_wait3A_433 = tpu.memref_squeeze %dma_wait3A_432 : memref<1x200x64xf32, #tpu.memory_space<hbm>> -> memref<200x64xf32, #tpu.memory_space<hbm>>
      %dma_wait3A_434 = arith.constant 0 : i32
      %dma_wait3A_435 = arith.constant 0 : i32
      %dma_wait3A_436 = tpu.memref_slice %arg4[%add3A_186, %dma_wait3A_434, %dma_wait3A_435] : memref<4096x200x64xf32, #tpu.memory_space<hbm>> -> memref<1x200x64xf32, #tpu.memory_space<hbm>>
      %dma_wait3A_437 = tpu.memref_squeeze %dma_wait3A_436 : memref<1x200x64xf32, #tpu.memory_space<hbm>> -> memref<200x64xf32, #tpu.memory_space<hbm>>
      %dma_wait3A_438 = arith.constant 0 : i32
      %dma_wait3A_439 = arith.constant 0 : i32
      %dma_wait3A_440 = tpu.memref_slice %arg6[%dma_wait3A_425, %dma_wait3A_438, %dma_wait3A_439] : memref<8x200x64xf32, #tpu.memory_space<vmem>> -> memref<1x200x64xf32, #tpu.memory_space<vmem>>
      %dma_wait3A_441 = tpu.memref_squeeze %dma_wait3A_440 : memref<1x200x64xf32, #tpu.memory_space<vmem>> -> memref<200x64xf32, #tpu.memory_space<vmem>>
      tpu.wait_dma2 semaphore(%arg8 : memref<!tpu.dma_semaphore, #tpu.memory_space<semaphore_mem>>) src(%dma_wait3A_441 : memref<200x64xf32, #tpu.memory_space<vmem>>) dst(%dma_wait3A_437 : memref<200x64xf32, #tpu.memory_space<hbm>>)
      %dma_wait3A_442 = arith.constant 2 : i32
      %dma_wait3A_443 = arith.constant 0 : i32
      %dma_wait3A_444 = arith.constant 0 : i32
      %dma_wait3A_445 = tpu.memref_slice %arg6[%dma_wait3A_442, %dma_wait3A_443, %dma_wait3A_444] : memref<8x200x64xf32, #tpu.memory_space<vmem>> -> memref<1x200x64xf32, #tpu.memory_space<vmem>>
      %dma_wait3A_446 = tpu.memref_squeeze %dma_wait3A_445 : memref<1x200x64xf32, #tpu.memory_space<vmem>> -> memref<200x64xf32, #tpu.memory_space<vmem>>
      %dma_wait3A_447 = arith.constant 0 : i32
      %dma_wait3A_448 = arith.constant 0 : i32
      %dma_wait3A_449 = tpu.memref_slice %arg4[%add3A_220, %dma_wait3A_447, %dma_wait3A_448] : memref<4096x200x64xf32, #tpu.memory_space<hbm>> -> memref<1x200x64xf32, #tpu.memory_space<hbm>>
      %dma_wait3A_450 = tpu.memref_squeeze %dma_wait3A_449 : memref<1x200x64xf32, #tpu.memory_space<hbm>> -> memref<200x64xf32, #tpu.memory_space<hbm>>
      %dma_wait3A_451 = arith.constant 0 : i32
      %dma_wait3A_452 = arith.constant 0 : i32
      %dma_wait3A_453 = tpu.memref_slice %arg4[%add3A_220, %dma_wait3A_451, %dma_wait3A_452] : memref<4096x200x64xf32, #tpu.memory_space<hbm>> -> memref<1x200x64xf32, #tpu.memory_space<hbm>>
      %dma_wait3A_454 = tpu.memref_squeeze %dma_wait3A_453 : memref<1x200x64xf32, #tpu.memory_space<hbm>> -> memref<200x64xf32, #tpu.memory_space<hbm>>
      %dma_wait3A_455 = arith.constant 0 : i32
      %dma_wait3A_456 = arith.constant 0 : i32
      %dma_wait3A_457 = tpu.memref_slice %arg6[%dma_wait3A_442, %dma_wait3A_455, %dma_wait3A_456] : memref<8x200x64xf32, #tpu.memory_space<vmem>> -> memref<1x200x64xf32, #tpu.memory_space<vmem>>
      %dma_wait3A_458 = tpu.memref_squeeze %dma_wait3A_457 : memref<1x200x64xf32, #tpu.memory_space<vmem>> -> memref<200x64xf32, #tpu.memory_space<vmem>>
      tpu.wait_dma2 semaphore(%arg8 : memref<!tpu.dma_semaphore, #tpu.memory_space<semaphore_mem>>) src(%dma_wait3A_458 : memref<200x64xf32, #tpu.memory_space<vmem>>) dst(%dma_wait3A_454 : memref<200x64xf32, #tpu.memory_space<hbm>>)
      %dma_wait3A_459 = arith.constant 3 : i32
      %dma_wait3A_460 = arith.constant 0 : i32
      %dma_wait3A_461 = arith.constant 0 : i32
      %dma_wait3A_462 = tpu.memref_slice %arg6[%dma_wait3A_459, %dma_wait3A_460, %dma_wait3A_461] : memref<8x200x64xf32, #tpu.memory_space<vmem>> -> memref<1x200x64xf32, #tpu.memory_space<vmem>>
      %dma_wait3A_463 = tpu.memref_squeeze %dma_wait3A_462 : memref<1x200x64xf32, #tpu.memory_space<vmem>> -> memref<200x64xf32, #tpu.memory_space<vmem>>
      %dma_wait3A_464 = arith.constant 0 : i32
      %dma_wait3A_465 = arith.constant 0 : i32
      %dma_wait3A_466 = tpu.memref_slice %arg4[%add3A_254, %dma_wait3A_464, %dma_wait3A_465] : memref<4096x200x64xf32, #tpu.memory_space<hbm>> -> memref<1x200x64xf32, #tpu.memory_space<hbm>>
      %dma_wait3A_467 = tpu.memref_squeeze %dma_wait3A_466 : memref<1x200x64xf32, #tpu.memory_space<hbm>> -> memref<200x64xf32, #tpu.memory_space<hbm>>
      %dma_wait3A_468 = arith.constant 0 : i32
      %dma_wait3A_469 = arith.constant 0 : i32
      %dma_wait3A_470 = tpu.memref_slice %arg4[%add3A_254, %dma_wait3A_468, %dma_wait3A_469] : memref<4096x200x64xf32, #tpu.memory_space<hbm>> -> memref<1x200x64xf32, #tpu.memory_space<hbm>>
      %dma_wait3A_471 = tpu.memref_squeeze %dma_wait3A_470 : memref<1x200x64xf32, #tpu.memory_space<hbm>> -> memref<200x64xf32, #tpu.memory_space<hbm>>
      %dma_wait3A_472 = arith.constant 0 : i32
      %dma_wait3A_473 = arith.constant 0 : i32
      %dma_wait3A_474 = tpu.memref_slice %arg6[%dma_wait3A_459, %dma_wait3A_472, %dma_wait3A_473] : memref<8x200x64xf32, #tpu.memory_space<vmem>> -> memref<1x200x64xf32, #tpu.memory_space<vmem>>
      %dma_wait3A_475 = tpu.memref_squeeze %dma_wait3A_474 : memref<1x200x64xf32, #tpu.memory_space<vmem>> -> memref<200x64xf32, #tpu.memory_space<vmem>>
      tpu.wait_dma2 semaphore(%arg8 : memref<!tpu.dma_semaphore, #tpu.memory_space<semaphore_mem>>) src(%dma_wait3A_475 : memref<200x64xf32, #tpu.memory_space<vmem>>) dst(%dma_wait3A_471 : memref<200x64xf32, #tpu.memory_space<hbm>>)
      %dma_wait3A_476 = arith.constant 4 : i32
      %dma_wait3A_477 = arith.constant 0 : i32
      %dma_wait3A_478 = arith.constant 0 : i32
      %dma_wait3A_479 = tpu.memref_slice %arg6[%dma_wait3A_476, %dma_wait3A_477, %dma_wait3A_478] : memref<8x200x64xf32, #tpu.memory_space<vmem>> -> memref<1x200x64xf32, #tpu.memory_space<vmem>>
      %dma_wait3A_480 = tpu.memref_squeeze %dma_wait3A_479 : memref<1x200x64xf32, #tpu.memory_space<vmem>> -> memref<200x64xf32, #tpu.memory_space<vmem>>
      %dma_wait3A_481 = arith.constant 0 : i32
      %dma_wait3A_482 = arith.constant 0 : i32
      %dma_wait3A_483 = tpu.memref_slice %arg4[%add3A_288, %dma_wait3A_481, %dma_wait3A_482] : memref<4096x200x64xf32, #tpu.memory_space<hbm>> -> memref<1x200x64xf32, #tpu.memory_space<hbm>>
      %dma_wait3A_484 = tpu.memref_squeeze %dma_wait3A_483 : memref<1x200x64xf32, #tpu.memory_space<hbm>> -> memref<200x64xf32, #tpu.memory_space<hbm>>
      %dma_wait3A_485 = arith.constant 0 : i32
      %dma_wait3A_486 = arith.constant 0 : i32
      %dma_wait3A_487 = tpu.memref_slice %arg4[%add3A_288, %dma_wait3A_485, %dma_wait3A_486] : memref<4096x200x64xf32, #tpu.memory_space<hbm>> -> memref<1x200x64xf32, #tpu.memory_space<hbm>>
      %dma_wait3A_488 = tpu.memref_squeeze %dma_wait3A_487 : memref<1x200x64xf32, #tpu.memory_space<hbm>> -> memref<200x64xf32, #tpu.memory_space<hbm>>
      %dma_wait3A_489 = arith.constant 0 : i32
      %dma_wait3A_490 = arith.constant 0 : i32
      %dma_wait3A_491 = tpu.memref_slice %arg6[%dma_wait3A_476, %dma_wait3A_489, %dma_wait3A_490] : memref<8x200x64xf32, #tpu.memory_space<vmem>> -> memref<1x200x64xf32, #tpu.memory_space<vmem>>
      %dma_wait3A_492 = tpu.memref_squeeze %dma_wait3A_491 : memref<1x200x64xf32, #tpu.memory_space<vmem>> -> memref<200x64xf32, #tpu.memory_space<vmem>>
      tpu.wait_dma2 semaphore(%arg8 : memref<!tpu.dma_semaphore, #tpu.memory_space<semaphore_mem>>) src(%dma_wait3A_492 : memref<200x64xf32, #tpu.memory_space<vmem>>) dst(%dma_wait3A_488 : memref<200x64xf32, #tpu.memory_space<hbm>>)
      %dma_wait3A_493 = arith.constant 5 : i32
      %dma_wait3A_494 = arith.constant 0 : i32
      %dma_wait3A_495 = arith.constant 0 : i32
      %dma_wait3A_496 = tpu.memref_slice %arg6[%dma_wait3A_493, %dma_wait3A_494, %dma_wait3A_495] : memref<8x200x64xf32, #tpu.memory_space<vmem>> -> memref<1x200x64xf32, #tpu.memory_space<vmem>>
      %dma_wait3A_497 = tpu.memref_squeeze %dma_wait3A_496 : memref<1x200x64xf32, #tpu.memory_space<vmem>> -> memref<200x64xf32, #tpu.memory_space<vmem>>
      %dma_wait3A_498 = arith.constant 0 : i32
      %dma_wait3A_499 = arith.constant 0 : i32
      %dma_wait3A_500 = tpu.memref_slice %arg4[%add3A_322, %dma_wait3A_498, %dma_wait3A_499] : memref<4096x200x64xf32, #tpu.memory_space<hbm>> -> memref<1x200x64xf32, #tpu.memory_space<hbm>>
      %dma_wait3A_501 = tpu.memref_squeeze %dma_wait3A_500 : memref<1x200x64xf32, #tpu.memory_space<hbm>> -> memref<200x64xf32, #tpu.memory_space<hbm>>
      %dma_wait3A_502 = arith.constant 0 : i32
      %dma_wait3A_503 = arith.constant 0 : i32
      %dma_wait3A_504 = tpu.memref_slice %arg4[%add3A_322, %dma_wait3A_502, %dma_wait3A_503] : memref<4096x200x64xf32, #tpu.memory_space<hbm>> -> memref<1x200x64xf32, #tpu.memory_space<hbm>>
      %dma_wait3A_505 = tpu.memref_squeeze %dma_wait3A_504 : memref<1x200x64xf32, #tpu.memory_space<hbm>> -> memref<200x64xf32, #tpu.memory_space<hbm>>
      %dma_wait3A_506 = arith.constant 0 : i32
      %dma_wait3A_507 = arith.constant 0 : i32
      %dma_wait3A_508 = tpu.memref_slice %arg6[%dma_wait3A_493, %dma_wait3A_506, %dma_wait3A_507] : memref<8x200x64xf32, #tpu.memory_space<vmem>> -> memref<1x200x64xf32, #tpu.memory_space<vmem>>
      %dma_wait3A_509 = tpu.memref_squeeze %dma_wait3A_508 : memref<1x200x64xf32, #tpu.memory_space<vmem>> -> memref<200x64xf32, #tpu.memory_space<vmem>>
      tpu.wait_dma2 semaphore(%arg8 : memref<!tpu.dma_semaphore, #tpu.memory_space<semaphore_mem>>) src(%dma_wait3A_509 : memref<200x64xf32, #tpu.memory_space<vmem>>) dst(%dma_wait3A_505 : memref<200x64xf32, #tpu.memory_space<hbm>>)
      %dma_wait3A_510 = arith.constant 6 : i32
      %dma_wait3A_511 = arith.constant 0 : i32
      %dma_wait3A_512 = arith.constant 0 : i32
      %dma_wait3A_513 = tpu.memref_slice %arg6[%dma_wait3A_510, %dma_wait3A_511, %dma_wait3A_512] : memref<8x200x64xf32, #tpu.memory_space<vmem>> -> memref<1x200x64xf32, #tpu.memory_space<vmem>>
      %dma_wait3A_514 = tpu.memref_squeeze %dma_wait3A_513 : memref<1x200x64xf32, #tpu.memory_space<vmem>> -> memref<200x64xf32, #tpu.memory_space<vmem>>
      %dma_wait3A_515 = arith.constant 0 : i32
      %dma_wait3A_516 = arith.constant 0 : i32
      %dma_wait3A_517 = tpu.memref_slice %arg4[%add3A_356, %dma_wait3A_515, %dma_wait3A_516] : memref<4096x200x64xf32, #tpu.memory_space<hbm>> -> memref<1x200x64xf32, #tpu.memory_space<hbm>>
      %dma_wait3A_518 = tpu.memref_squeeze %dma_wait3A_517 : memref<1x200x64xf32, #tpu.memory_space<hbm>> -> memref<200x64xf32, #tpu.memory_space<hbm>>
      %dma_wait3A_519 = arith.constant 0 : i32
      %dma_wait3A_520 = arith.constant 0 : i32
      %dma_wait3A_521 = tpu.memref_slice %arg4[%add3A_356, %dma_wait3A_519, %dma_wait3A_520] : memref<4096x200x64xf32, #tpu.memory_space<hbm>> -> memref<1x200x64xf32, #tpu.memory_space<hbm>>
      %dma_wait3A_522 = tpu.memref_squeeze %dma_wait3A_521 : memref<1x200x64xf32, #tpu.memory_space<hbm>> -> memref<200x64xf32, #tpu.memory_space<hbm>>
      %dma_wait3A_523 = arith.constant 0 : i32
      %dma_wait3A_524 = arith.constant 0 : i32
      %dma_wait3A_525 = tpu.memref_slice %arg6[%dma_wait3A_510, %dma_wait3A_523, %dma_wait3A_524] : memref<8x200x64xf32, #tpu.memory_space<vmem>> -> memref<1x200x64xf32, #tpu.memory_space<vmem>>
      %dma_wait3A_526 = tpu.memref_squeeze %dma_wait3A_525 : memref<1x200x64xf32, #tpu.memory_space<vmem>> -> memref<200x64xf32, #tpu.memory_space<vmem>>
      tpu.wait_dma2 semaphore(%arg8 : memref<!tpu.dma_semaphore, #tpu.memory_space<semaphore_mem>>) src(%dma_wait3A_526 : memref<200x64xf32, #tpu.memory_space<vmem>>) dst(%dma_wait3A_522 : memref<200x64xf32, #tpu.memory_space<hbm>>)
      %dma_wait3A_527 = arith.constant 7 : i32
      %dma_wait3A_528 = arith.constant 0 : i32
      %dma_wait3A_529 = arith.constant 0 : i32
      %dma_wait3A_530 = tpu.memref_slice %arg6[%dma_wait3A_527, %dma_wait3A_528, %dma_wait3A_529] : memref<8x200x64xf32, #tpu.memory_space<vmem>> -> memref<1x200x64xf32, #tpu.memory_space<vmem>>
      %dma_wait3A_531 = tpu.memref_squeeze %dma_wait3A_530 : memref<1x200x64xf32, #tpu.memory_space<vmem>> -> memref<200x64xf32, #tpu.memory_space<vmem>>
      %dma_wait3A_532 = arith.constant 0 : i32
      %dma_wait3A_533 = arith.constant 0 : i32
      %dma_wait3A_534 = tpu.memref_slice %arg4[%add3A_390, %dma_wait3A_532, %dma_wait3A_533] : memref<4096x200x64xf32, #tpu.memory_space<hbm>> -> memref<1x200x64xf32, #tpu.memory_space<hbm>>
      %dma_wait3A_535 = tpu.memref_squeeze %dma_wait3A_534 : memref<1x200x64xf32, #tpu.memory_space<hbm>> -> memref<200x64xf32, #tpu.memory_space<hbm>>
      %dma_wait3A_536 = arith.constant 0 : i32
      %dma_wait3A_537 = arith.constant 0 : i32
      %dma_wait3A_538 = tpu.memref_slice %arg4[%add3A_390, %dma_wait3A_536, %dma_wait3A_537] : memref<4096x200x64xf32, #tpu.memory_space<hbm>> -> memref<1x200x64xf32, #tpu.memory_space<hbm>>
      %dma_wait3A_539 = tpu.memref_squeeze %dma_wait3A_538 : memref<1x200x64xf32, #tpu.memory_space<hbm>> -> memref<200x64xf32, #tpu.memory_space<hbm>>
      %dma_wait3A_540 = arith.constant 0 : i32
      %dma_wait3A_541 = arith.constant 0 : i32
      %dma_wait3A_542 = tpu.memref_slice %arg6[%dma_wait3A_527, %dma_wait3A_540, %dma_wait3A_541] : memref<8x200x64xf32, #tpu.memory_space<vmem>> -> memref<1x200x64xf32, #tpu.memory_space<vmem>>
      %dma_wait3A_543 = tpu.memref_squeeze %dma_wait3A_542 : memref<1x200x64xf32, #tpu.memory_space<vmem>> -> memref<200x64xf32, #tpu.memory_space<vmem>>
      tpu.wait_dma2 semaphore(%arg8 : memref<!tpu.dma_semaphore, #tpu.memory_space<semaphore_mem>>) src(%dma_wait3A_543 : memref<200x64xf32, #tpu.memory_space<vmem>>) dst(%dma_wait3A_539 : memref<200x64xf32, #tpu.memory_space<hbm>>)
    }
    %scan3A_6 = arith.constant 16 : i32
    return
  }
}

</mosaic_0001>

<sc_bundles>
// kernel: kernel.3.cloned.1.call-start
scs
__scs_entry_jumppad:
0x0: {  	(pc) =	sbr.rel $0x88, $3  }
0x1: {  	(tag) =	ssettag $0x0;
	lr =	simm.s32 $0x1  }
0x2: {  	[smem:$0x3F9F] =	sst lr;
	_ =	strace $0xD0000000  }
0x3: {  	_ = 	snop  }
0x4: {  	_ = 	snop  }
0x5: {  	_ = 	snop  }
0x6: {  	_ = 	snop  }
0x7: {  	_ = 	snop  }
__scs_overlays_trampoline_lowered:
0x8: {  	[smem:$0x3FAE] =	sst s0  }
0x9: {  	[smem:$0x3FAF] =	sst s1  }
0xa: {  	[smem:$0x3FB0] =	sst s2  }
0xb: {  	[smem:$0x3FB1] =	sst s3  }
0xc: {  	[smem:$0x3FB2] =	sst s4  }
0xd: {  	[smem:$0x3FB3] =	sst s5  }
0xe: {  	[smem:$0x3FB4] =	sst s6  }
0xf: {  	[smem:$0x3FB5] =	sst s7  }
0x10: {  	[smem:$0x3FB6] =	sst s8  }
0x11: {  	[smem:$0x3FB7] =	sst s9;
	s0 =	simm.s32 @!p0 $0x0  }
0x12: {  	s1 =	sld [smem:$0x3F9D];
	s0 =	simm.s32 @p0 $0x1  }
0x13: {  	[smem:$0x3FB8] =	sst s0;
	s0 =	simm.s32 @!p1 $0x0  }
0x14: {  	s2 =	sld [smem:$0x3F9C];
	s0 =	simm.s32 @p1 $0x1  }
0x15: {  	[smem:$0x3FB9] =	sst s0;
	s0 =	simm.s32 @!p2 $0x0  }
0x16: {  	s3 =	sld [smem:$0x3FDB];
	s0 =	simm.s32 @p2 $0x1  }
0x17: {  	s4 =	simm.s32 $0x1BF5;
	[smem:$0x3FBB] =	sst s0  }
0x18: {  	s0 =	sld [smem:$0x3F9E];
	_ =	swait.ge [sflag:s4], $0x0  }
0x19: {  	s7 =	sld [smem:$0x3F9F]  }
0x1a: {  	s8 =	sadd.s32 $0xFFFFE003, lr  }
0x1b: {  	s9 =	sadd.s32 $0xFFFFFEF7, lr;
	s5 =	simm.s32 $0xFFFFFFFF;
	p2 =	slt.u32 s8, $0xFFFFF086  }
0x1c: {  	p1 =	slt.u32 s9, $0xF7A;
	s5 =	simm.s32 @!p2 $0x0  }
0x1d: {  	s5 =	simm.s32 @p1 $0x1;
	p0 =	seq.s32 s7, s2  }
0x1e: {  	s7 =	smul.u32 @!p0 $0xF7A, s2;
	p2 =	seq.s32 @!p0 s5, $0x0  }
0x1f: {  	s9 =	smul.u32 $0xF7A, s1;
	s8 =	simm.s32 @!p0 $0x1BF5;
	p2 =	por !p2, p0  }
0x20: {  	[sflag:s8] =	ssyncset.s32 @!p0 $0xFFFFF086;
	s6 =	sadd.s32 @!p0 s3, s7;
	s7 =	simm.s32 @!p0 $0x108  }
0x21: {  	s3 =	sadd.s32 s3, s9;
	s6 =	sadd.s32 @!p0 $0x88, s6;
	s7 =	simm.s32 @p2 $0x1082  }
0x22: {  	[simem:s7], [sflag:s8] =	dma.local @!p0 [hbm:s6], $0xF7A  }
0x23: {  	s9 =	sor.u32 $0xD0000000, s2;
	s6 =	simm.s32 $0x108;
	_ =	swait.ge @!p0 [sflag:s8], $0x0  }
0x24: {  	s3 =	sadd.s32 $0x88, s3;
	s6 =	simm.s32 @!p1 $0x1082;
	[sflag:s4] =	ssyncset.s32 $0xFFFFF086  }
0x25: {  	[simem:s6], [sflag:s4] =	dma.local [hbm:s3], $0xF7A  }
0x26: {  	[smem:$0x3F9F] =	sst s1;
	(tag) =	ssettag s2;
	_ =	strace s9  }
0x27: {  	s1 =	sld [smem:$0x3FAF]  }
0x28: {  	s2 =	sld [smem:$0x3FB0]  }
0x29: {  	s4 =	sld [smem:$0x3FB2]  }
0x2a: {  	p0 =	seq.s32 s5, $0x0;
	s5 =	sld [smem:$0x3FB3]  }
0x2b: {  	s6 =	sld [smem:$0x3FB4]  }
0x2c: {  	s7 =	sld [smem:$0x3FB5]  }
0x2d: {  	s3 =	simm.s32 $0x108;
	s8 =	sld [smem:$0x3FB6]  }
0x2e: {  	s3 =	simm.s32 @!p0 $0x1082;
	s9 =	sld [smem:$0x3FB7]  }
0x2f: {  	lr =	sadd.s32 s0, s3;
	s0 =	sld [smem:$0x3FAE]  }
0x30: {  	s3 =	sld [smem:$0x3FB1]  }
0x31: {  	[smem:$0x3FBA] =	sst s10  }
0x32: {  	s10 =	sld [smem:$0x3FB8];
	_ =	sdelay $0x3  }
0x33: {  	p0 =	seq.s32 s10, $0x1;
	s10 =	sld [smem:$0x3FBA];
	_ =	sdelay $0x3  }
0x34: {  	[smem:$0x3FBA] =	sst s10  }
0x35: {  	s10 =	sld [smem:$0x3FB9];
	_ =	sdelay $0x3  }
0x36: {  	p1 =	seq.s32 s10, $0x1;
	s10 =	sld [smem:$0x3FBA];
	_ =	sdelay $0x3  }
0x37: {  	[smem:$0x3FBA] =	sst s10  }
0x38: {  	s10 =	sld [smem:$0x3FBB]  }
0x39: {  	_ = 	snop;
	(pc) =	sbr.ind lr, $3  }
0x3a: {  	_ = 	snop  }
0x3b: {  	_ = 	snop  }
0x3c: {  	p2 =	seq.s32 s10, $0x1;
	s10 =	sld [smem:$0x3FBA]  }
0x3d: {  	_ =	shalt  }
0x3e: {  	_ =	shalt  }
0x3f: {  	_ =	shalt  }
0x40: {  	_ =	shalt  }
0x41: {  	_ =	shalt  }
0x42: {  	_ =	shalt  }
0x43: {  	_ =	shalt  }
0x44: {  	_ =	shalt  }
0x45: {  	_ =	shalt  }
0x46: {  	_ =	shalt  }
0x47: {  	_ =	shalt  }
0x48: {  	_ =	shalt  }
0x49: {  	_ =	shalt  }
0x4a: {  	_ =	shalt  }
0x4b: {  	_ =	shalt  }
0x4c: {  	_ =	shalt  }
0x4d: {  	_ =	shalt  }
0x4e: {  	_ =	shalt  }
0x4f: {  	_ =	shalt  }
0x50: {  	_ =	shalt  }
0x51: {  	_ =	shalt  }
0x52: {  	_ =	shalt  }
0x53: {  	_ =	shalt  }
0x54: {  	_ =	shalt  }
0x55: {  	_ =	shalt  }
0x56: {  	_ =	shalt  }
0x57: {  	_ =	shalt  }
0x58: {  	_ =	shalt  }
0x59: {  	_ =	shalt  }
0x5a: {  	_ =	shalt  }
0x5b: {  	_ =	shalt  }
0x5c: {  	_ =	shalt  }
0x5d: {  	_ =	shalt  }
0x5e: {  	_ =	shalt  }
0x5f: {  	_ =	shalt  }
0x60: {  	_ =	shalt  }
0x61: {  	_ =	shalt  }
0x62: {  	_ =	shalt  }
0x63: {  	_ =	shalt  }
0x64: {  	_ =	shalt  }
0x65: {  	_ =	shalt  }
0x66: {  	_ =	shalt  }
0x67: {  	_ =	shalt  }
0x68: {  	_ =	shalt  }
0x69: {  	_ =	shalt  }
0x6a: {  	_ =	shalt  }
0x6b: {  	_ =	shalt  }
0x6c: {  	_ =	shalt  }
0x6d: {  	_ =	shalt  }
0x6e: {  	_ =	shalt  }
0x6f: {  	_ =	shalt  }
0x70: {  	_ =	shalt  }
0x71: {  	_ =	shalt  }
0x72: {  	_ =	shalt  }
0x73: {  	_ =	shalt  }
0x74: {  	_ =	shalt  }
0x75: {  	_ =	shalt  }
0x76: {  	_ =	shalt  }
0x77: {  	_ =	shalt  }
0x78: {  	_ =	shalt  }
0x79: {  	_ =	shalt  }
0x7a: {  	_ =	shalt  }
0x7b: {  	_ =	shalt  }
0x7c: {  	_ =	shalt  }
0x7d: {  	_ =	shalt  }
0x7e: {  	_ =	shalt  }
0x7f: {  	_ =	shalt  }
0x80: {  	_ =	shalt  }
0x81: {  	_ =	shalt  }
0x82: {  	_ =	shalt  }
0x83: {  	_ =	shalt  }
0x84: {  	_ =	shalt  }
0x85: {  	_ =	shalt  }
0x86: {  	_ =	shalt  }
0x87: {  	_ =	shalt  }
.Lfunc_end0:
.L_simem_size_0:
called_computation.1_lowered:
.L_overlay_start_0:
0x88: {  	s2 =	sld [smem:$0x3FD9]  }
0x89: {  	s3 =	sld [smem:$0x3FFE];
	_ =	sdelay $0x1  }
0x8a: {  	s1 =	srdreg.scid  }
0x8b: {  	s0 =	sand.u32 $0x1, s1  }
0x8c: {  	s17 =	sshll.u32 s0, $0xA;
	s2 =	sadd.s32 s3, s2  }
0x8d: {  	s2 =	sadd.s32 s2, s17  }
0x8e: {  	[smem:$0x3FC6] =	sst s2  }
0x8f: {  	_ = 	snop  }
0x90: {  	s2 =	sld [smem:$0x3FD0];
	(tm) =	ssettm $0x1  }
0x91: {  	s18 =	sld [smem:$0x3FFB];
	_ =	sdelay $0x3  }
0x92: {  	_ =	strace s18  }
0x93: {  	s3 =	sld [smem:$0x3FFC];
	_ =	sdelay $0x3  }
0x94: {  	_ =	strace s3  }
0x95: {  	s3 =	sld [smem:$0x3FFD];
	_ =	sdelay $0x3  }
0x96: {  	_ =	strace s3  }
0x97: {  	_ =	strace $0x8FFFFFFF  }
0x98: {  	s19 =	sld [smem:$0x3FDB];
	_ =	sdelay $0x1  }
0x99: {  	s4 =	simm.s32 $_scs_section_size  }
0x9a: {  	s5 =	simm.s32 $_size__tile_overlayer_lowered;
	s6 =	simm.s32 $_tile_overlayer_lowered  }
0x9b: {  	s22 =	simm.s32 $0x1BFF;
	s21 =	sshll.u32 s6, $0x1;
	s3 =	sadd.s32 s4, s19  }
0x9c: {  	s7 =	simm.s32 $0x0;
	s20 =	sshll.u32 s5, $0x1;
	s5 =	sadd.s32 s21, s3  }
0x9d: {  	[timem:s7], [sflag:s22] =	dma.local [hbm:s5], s20  }
0x9e: {  	_ =	swait.ge [sflag:s22], s20  }
0x9f: {  	s4 =	ssub.s32 $0x0, s20;
	[sflag:s22] =	ssyncset.done $0x0  }
0xa0: {  	[sflag:s22] =	ssyncadd.s32 s4;
	_ =	sdelay $0x1  }
0xa1: {  	s23 =	simm.s32 $0x1B8B  }
0xa2: {  	_ =	swait.ge [sflag:s23], $0x1  }
0xa3: {  	[sflag:s23] =	ssyncset.done $0x0  }
0xa4: {  	s25 =	simm.s32 $0x1B8E;
	s24 =	sld [smem:$0x3FFE];
	[sflag:s23] =	ssyncadd.s32 $0xFFFFFFFF  }
0xa5: {  	s26 =	simm.s32 $execute0_lowered;
	[smem:$0x3FD2] =	sst s25  }
0xa6: {  	s5 =	sshll.u32 s26, $0x1;
	_ =	strace $0x80000046;
	[dreg:$0x1] =	wrdreg $0xFFFFFFFF  }
0xa7: {  	s28 =	simm.s32 $_size_execute0_lowered;
	s3 =	sadd.s32 s3, s5;
	[dreg:$0x0] =	wrdreg $0x0  }
0xa8: {  	s5 =	sshll.u32 s28, $0x1;
	[dreg:$0x2] =	wrdreg s3  }
0xa9: {  	[dreg:$0x3] =	wrdreg s5  }
0xaa: {  	[dreg:$0x4] =	wrdreg $0xC0  }
0xab: {  	_ =	task [dreg:s7], $0x5FFFF  }
0xac: {  	[dreg:$0x1] =	wrdreg $0xFFFFFFFF  }
0xad: {  	[dreg:$0x0] =	wrdreg $0x60  }
0xae: {  	[dreg:$0x2] =	wrdreg s24  }
0xaf: {  	[dreg:$0x3] =	wrdreg s2  }
0xb0: {  	[dreg:$0x4] =	wrdreg $0x9  }
0xb1: {  	_ =	task.clear_ibuf [dreg:s7], $0x5FFFF;
	_ =	strace $0x90000046  }
0xb2: {  	s29 =	simm.s32 $0x9;
	_ =	strace $0x80000048  }
0xb3: {  	_ =	swait.ge [sflag:s29], $0x1  }
0xb4: {  	[sflag:s29] =	ssyncadd.s32 $0xFFFFFFFF  }
0xb5: {  	_ =	strace $0x90000048  }
0xb6: {  	_ =	sfence  }
0xb7: {  	s30 =	sld [smem:$0x0];
	_ =	sdelay $0x2  }
0xb8: {  	s31 =	sshll.u32 s1, $0xD;
	s1 =	sshrl.u32 s1, $0x2  }
0xb9: {  	s3 =	sand.u32 $0x4000, s31;
	s1 =	sadd.s32 s1, s30  }
0xba: {  	s0 =	sor.u32 s3, s0;
	s1 =	sshll.u32 s1, $0x11  }
0xbb: {  	s0 =	sor.u32 s1, s0  }
0xbc: {  	s0 =	sadd.s32 $0x8F2B, s0  }
0xbd: {  	[sflag:s0] =	ssyncadd.remote.s32 $0x1  }
0xbe: {  	_ =	sfence.sel $0xFFFF  }
0xbf: {  	[dreg:$0x0] =	wrdreg $0xFFFFFFFF;
	(pc) =	sbr.abs _section_cstart, $3  }
0xc0: {  	[dreg:$0x1] =	wrdreg $0xFFFFFFFF  }
0xc1: {  	_ =	task.clear_ibuf [dreg:s7], $0x2FFFF;
	_ =	strace $0x9FFFFFFF  }
0xc2: {  	(tm) =	ssettm $0x7FFFFFFF  }
0xc3: {  	_ =	shalt  }
tec
execute0_lowered:
.L_overlay_start_1:
0x0: {  	(tag) =	ssettag $0x1  }
0x1: {  	s1 =	srdreg.scid  }
0x2: {  	s0 =	stileid.u32;
	s4 =	rddreg [dreg:$0x0];
	s3 =	simm.s32 $0x0  }
0x3: {  	s12 =	simm.s32 $0xFA00;
	s13 =	simm.s32 $0x12C00;
	s14 =	simm.s32 $0x15E00  }
0x4: {  	s15 =	simm.s32 $0x19000;
	s16 =	simm.s32 $0x1C200;
	s7 =	smul.u32 $0x320000, s0  }
0x5: {  	s17 =	simm.s32 $0x1;
	s5 =	sand.u32 $0x1, s1;
	s29 =	smul.u32 $0x64000, s0  }
0x6: {  	s18 =	sshll.u32 s0, $0x8;
	[smem:$0x7FF] =	sst s3;
	s8 =	smul.u32 $0x190000, s5  }
0x7: {  	s2 =	sshll.u32 s5, $0x7;
	s19 =	ssub.s32 $0x2, s5;
	s30 =	smul.u32 $0x32000, s5  }
0x8: {  	s1 =	sor.u32 s2, s18;
	s2 =	rddreg [dreg:$0x1];
	_ =	strace $0x80000047  }
0x9: {  	s10 =	sshrl.u32 s19, $0x1;
	s18 =	simm.s32 $0x2;
	s6 =	smul.u32 $0x19, s1  }
0xa: {  	s7 =	sadd.s32 s8, s7;
	s8 =	ssub.s32 s19, s10;
	s31 =	sadd.s32 s30, s29  }
0xb: {  	s10 =	simm.s32 $0x9600;
	s19 =	simm.s32 $0x3;
	s9 =	sadd.s32 $0x15E00, s7  }
0xc: {  	s11 =	sadd.s32 $0x12C00, s7;
	s21 =	sor.u32 $0xFA00, s7;
	s23 =	sor.u32 $0xC800, s7  }
0xd: {  	s25 =	sor.u32 $0x9600, s7;
	s28 =	sor.u32 $0x6400, s7;
	s7 =	sor.u32 $0x3200, s7  }
0xe: {  	[dreg:$0xa] =	wrdreg s31;
	s6 =	sadd.s32 s6, s4;
	s9 =	sshrl.u32 s9, $0x3  }
0xf: {  	s4 =	sadd.s32 $0xF42E00, s4;
	s20 =	sshrl.u32 s11, $0x3;
	[dreg:$0x3] =	wrdreg s9  }
0x10: {  	s22 =	sshrl.u32 s21, $0x3;
	s24 =	sshrl.u32 s23, $0x3;
	[dreg:$0x4] =	wrdreg s20  }
0x11: {  	s26 =	sshrl.u32 s25, $0x3;
	s7 =	sshrl.u32 s7, $0x3;
	[dreg:$0x5] =	wrdreg s22  }
0x12: {  	s11 =	simm.s32 $0xC800;
	s21 =	simm.s32 $0x5;
	[dreg:$0x6] =	wrdreg s24  }
0x13: {  	s23 =	simm.s32 $0x7;
	s25 =	simm.s32 $0x9;
	[dreg:$0x7] =	wrdreg s26  }
0x14: {  	s9 =	sshrl.u32 s28, $0x3;
	s5 =	sadd.s32 $0xA00, s6;
	s6 =	smax.u32 s8, $0x1  }
0x15: {  	[dreg:$0x9] =	wrdreg s7;
	s7 =	simm.s32 $0xA;
	s8 =	simm.s32 $0xC8  }
0x16: {  	s20 =	simm.s32 $0x4;
	s22 =	simm.s32 $0x6;
	s24 =	simm.s32 $0x8  }
0x17: {  	s26 =	simm.s32 $0x0;
	[dreg:$0x8] =	wrdreg s9;
	s9 =	simm.s32 $0x6400  }
.LBB2_1:
0x18: {  	[tilespmem:s3], [sflag:$0xA] =	stream.linear.gather [hbm4b:s5+s3], $0x6400, $0x38;
	[tilespmem:$0x1F400] =	vst v63  }
0x19: {  	_ =	swait.ge [sflag:s7], $0x6400  }
0x1a: {  	[sflag:s7] =	ssyncset.done $0x0  }
0x1b: {  	s28 =	simm.s32 $0x0;
	[sflag:s7] =	ssyncadd.s32 $0xFFFF9C00  }
0x1c: {  	[tilespmem:s9], [sflag:$0x1] =	stream.indirect.gather [hbm4b:s4+s8], $0x40, s28, s8, $0xb8;
	[tilespmem:$0x1F400] =	vst v63  }
0x1d: {  	s28 =	simm.s32 $0xC8  }
0x1e: {  	[tilespmem:s10], [sflag:$0x2] =	stream.indirect.gather [hbm4b:s4+s8], $0x40, s28, s8, $0xb8;
	[tilespmem:$0x1F400] =	vst v63  }
0x1f: {  	s28 =	simm.s32 $0x190  }
0x20: {  	[tilespmem:s11], [sflag:$0x3] =	stream.indirect.gather [hbm4b:s4+s8], $0x40, s28, s8, $0xb8;
	[tilespmem:$0x1F400] =	vst v63  }
0x21: {  	s28 =	simm.s32 $0x258  }
0x22: {  	[tilespmem:s12], [sflag:$0x4] =	stream.indirect.gather [hbm4b:s4+s8], $0x40, s28, s8, $0xb8;
	[tilespmem:$0x1F400] =	vst v63  }
0x23: {  	s28 =	simm.s32 $0x320  }
0x24: {  	[tilespmem:s13], [sflag:$0x5] =	stream.indirect.gather [hbm4b:s4+s8], $0x40, s28, s8, $0xb8;
	[tilespmem:$0x1F400] =	vst v63  }
0x25: {  	s28 =	simm.s32 $0x3E8  }
0x26: {  	[tilespmem:s14], [sflag:$0x6] =	stream.indirect.gather [hbm4b:s4+s8], $0x40, s28, s8, $0xb8;
	[tilespmem:$0x1F400] =	vst v63  }
0x27: {  	s28 =	simm.s32 $0x4B0  }
0x28: {  	[tilespmem:s15], [sflag:$0x7] =	stream.indirect.gather [hbm4b:s4+s8], $0x40, s28, s8, $0xb8;
	[tilespmem:$0x1F400] =	vst v63  }
0x29: {  	s28 =	simm.s32 $0x578  }
0x2a: {  	[tilespmem:s16], [sflag:$0x8] =	stream.indirect.gather [hbm4b:s4+s8], $0x40, s28, s8, $0xb8;
	[tilespmem:$0x1F400] =	vst v63  }
0x2b: {  	_ =	swait.ge [sflag:s17], $0x3200  }
0x2c: {  	s28 =	rddreg [dreg:$0xa];
	[sflag:s17] =	ssyncset.done $0x0  }
0x2d: {  	[sflag:s17] =	ssyncadd.s32 $0xFFFFCE00;
	s28 =	sadd.s32 s2, s28  }
0x2e: {  	[hbm4b:s28+s3] =	stream.linear.scatter [tilespmem:s9], [sflag:$0x9], $0x3200, $0x38;
	[tilespmem:$0x1F400] =	vst v63  }
0x2f: {  	_ =	swait.ge [sflag:s18], $0x3200  }
0x30: {  	s28 =	rddreg [dreg:$0x9];
	[sflag:s18] =	ssyncset.done $0x0  }
0x31: {  	[sflag:s18] =	ssyncadd.s32 $0xFFFFCE00;
	s28 =	sadd.s32 s2, s28  }
0x32: {  	[hbm4b:s28+s3] =	stream.linear.scatter [tilespmem:s10], [sflag:$0x9], $0x3200, $0x38;
	[tilespmem:$0x1F400] =	vst v63  }
0x33: {  	_ =	swait.ge [sflag:s19], $0x3200  }
0x34: {  	s28 =	rddreg [dreg:$0x8];
	[sflag:s19] =	ssyncset.done $0x0  }
0x35: {  	[sflag:s19] =	ssyncadd.s32 $0xFFFFCE00;
	s28 =	sadd.s32 s2, s28  }
0x36: {  	[hbm4b:s28+s3] =	stream.linear.scatter [tilespmem:s11], [sflag:$0x9], $0x3200, $0x38;
	[tilespmem:$0x1F400] =	vst v63  }
0x37: {  	_ =	swait.ge [sflag:s20], $0x3200  }
0x38: {  	s28 =	rddreg [dreg:$0x7];
	[sflag:s20] =	ssyncset.done $0x0  }
0x39: {  	[sflag:s20] =	ssyncadd.s32 $0xFFFFCE00;
	s28 =	sadd.s32 s2, s28  }
0x3a: {  	[hbm4b:s28+s3] =	stream.linear.scatter [tilespmem:s12], [sflag:$0x9], $0x3200, $0x38;
	[tilespmem:$0x1F400] =	vst v63  }
0x3b: {  	_ =	swait.ge [sflag:s21], $0x3200  }
0x3c: {  	s28 =	rddreg [dreg:$0x6];
	[sflag:s21] =	ssyncset.done $0x0  }
0x3d: {  	[sflag:s21] =	ssyncadd.s32 $0xFFFFCE00;
	s28 =	sadd.s32 s2, s28  }
0x3e: {  	[hbm4b:s28+s3] =	stream.linear.scatter [tilespmem:s13], [sflag:$0x9], $0x3200, $0x38;
	[tilespmem:$0x1F400] =	vst v63  }
0x3f: {  	_ =	swait.ge [sflag:s22], $0x3200  }
0x40: {  	s28 =	rddreg [dreg:$0x5];
	[sflag:s22] =	ssyncset.done $0x0  }
0x41: {  	[sflag:s22] =	ssyncadd.s32 $0xFFFFCE00;
	s28 =	sadd.s32 s2, s28  }
0x42: {  	[hbm4b:s28+s3] =	stream.linear.scatter [tilespmem:s14], [sflag:$0x9], $0x3200, $0x38;
	[tilespmem:$0x1F400] =	vst v63  }
0x43: {  	_ =	swait.ge [sflag:s23], $0x3200  }
0x44: {  	s28 =	rddreg [dreg:$0x4];
	[sflag:s23] =	ssyncset.done $0x0  }
0x45: {  	[sflag:s23] =	ssyncadd.s32 $0xFFFFCE00;
	s28 =	sadd.s32 s2, s28  }
0x46: {  	[hbm4b:s28+s3] =	stream.linear.scatter [tilespmem:s15], [sflag:$0x9], $0x3200, $0x38;
	[tilespmem:$0x1F400] =	vst v63  }
0x47: {  	_ =	swait.ge [sflag:s24], $0x3200  }
0x48: {  	s28 =	rddreg [dreg:$0x3];
	[sflag:s24] =	ssyncset.done $0x0  }
0x49: {  	[sflag:s24] =	ssyncadd.s32 $0xFFFFCE00;
	s28 =	sadd.s32 s2, s28  }
0x4a: {  	[hbm4b:s28+s3] =	stream.linear.scatter [tilespmem:s16], [sflag:$0x9], $0x3200, $0x38;
	[tilespmem:$0x1F400] =	vst v63  }
0x4b: {  	_ =	swait.ge [sflag:s25], $0x3200  }
0x4c: {  	[sflag:s25] =	ssyncset.done $0x0  }
0x4d: {  	[sflag:s25] =	ssyncadd.s32 $0xFFFFCE00  }
0x4e: {  	_ =	swait.ge [sflag:s25], $0x3200  }
0x4f: {  	[sflag:s25] =	ssyncset.done $0x0  }
0x50: {  	[sflag:s25] =	ssyncadd.s32 $0xFFFFCE00  }
0x51: {  	_ =	swait.ge [sflag:s25], $0x3200  }
0x52: {  	[sflag:s25] =	ssyncset.done $0x0  }
0x53: {  	[sflag:s25] =	ssyncadd.s32 $0xFFFFCE00  }
0x54: {  	_ =	swait.ge [sflag:s25], $0x3200  }
0x55: {  	[sflag:s25] =	ssyncset.done $0x0  }
0x56: {  	[sflag:s25] =	ssyncadd.s32 $0xFFFFCE00  }
0x57: {  	_ =	swait.ge [sflag:s25], $0x3200  }
0x58: {  	[sflag:s25] =	ssyncset.done $0x0  }
0x59: {  	[sflag:s25] =	ssyncadd.s32 $0xFFFFCE00  }
0x5a: {  	_ =	swait.ge [sflag:s25], $0x3200  }
0x5b: {  	[sflag:s25] =	ssyncset.done $0x0  }
0x5c: {  	[sflag:s25] =	ssyncadd.s32 $0xFFFFCE00  }
0x5d: {  	_ =	swait.ge [sflag:s25], $0x3200  }
0x5e: {  	[sflag:s25] =	ssyncset.done $0x0  }
0x5f: {  	[sflag:s25] =	ssyncadd.s32 $0xFFFFCE00  }
0x60: {  	s29 =	simm.s32 $0x1900;
	_ =	swait.ge [sflag:s25], $0x3200  }
0x61: {  	s31 =	simm.s32 $0x3200;
	s28 =	sadd.s32 $0x3200, s2;
	[sflag:s25] =	ssyncset.done $0x0  }
.LBB2_2:
0x62: {  	s1 =	sshra.s32 s29, $0x2;
	[sflag:s25] =	ssyncadd.s32 $0xFFFFCE00;
	s29 =	smov.u32 s31  }
0x63: {  	[tilespmem:s9], [sflag:$0x1] =	stream.indirect.gather [hbm4b:s4+s8], $0x40, s1, s8, $0xb8;
	[tilespmem:$0x1F400] =	vst v63  }
0x64: {  	s30 =	sadd.s32 $0x1900, s31;
	p0 =	sne.s32 s31, $0x17700;
	s31 =	sadd.s32 $0xC8, s1  }
0x65: {  	[tilespmem:s10], [sflag:$0x2] =	stream.indirect.gather [hbm4b:s4+s8], $0x40, s31, s8, $0xb8;
	[tilespmem:$0x1F400] =	vst v63  }
0x66: {  	s31 =	sadd.s32 $0x190, s1  }
0x67: {  	[tilespmem:s11], [sflag:$0x3] =	stream.indirect.gather [hbm4b:s4+s8], $0x40, s31, s8, $0xb8;
	[tilespmem:$0x1F400] =	vst v63  }
0x68: {  	s31 =	sadd.s32 $0x258, s1  }
0x69: {  	[tilespmem:s12], [sflag:$0x4] =	stream.indirect.gather [hbm4b:s4+s8], $0x40, s31, s8, $0xb8;
	[tilespmem:$0x1F400] =	vst v63  }
0x6a: {  	s31 =	sadd.s32 $0x320, s1  }
0x6b: {  	[tilespmem:s13], [sflag:$0x5] =	stream.indirect.gather [hbm4b:s4+s8], $0x40, s31, s8, $0xb8;
	[tilespmem:$0x1F400] =	vst v63  }
0x6c: {  	s31 =	sadd.s32 $0x3E8, s1  }
0x6d: {  	[tilespmem:s14], [sflag:$0x6] =	stream.indirect.gather [hbm4b:s4+s8], $0x40, s31, s8, $0xb8;
	[tilespmem:$0x1F400] =	vst v63  }
0x6e: {  	s31 =	sadd.s32 $0x4B0, s1  }
0x6f: {  	[tilespmem:s15], [sflag:$0x7] =	stream.indirect.gather [hbm4b:s4+s8], $0x40, s31, s8, $0xb8;
	[tilespmem:$0x1F400] =	vst v63  }
0x70: {  	s1 =	sadd.s32 $0x578, s1  }
0x71: {  	[tilespmem:s16], [sflag:$0x8] =	stream.indirect.gather [hbm4b:s4+s8], $0x40, s1, s8, $0xb8;
	[tilespmem:$0x1F400] =	vst v63  }
0x72: {  	_ =	swait.ge [sflag:s17], $0x3200  }
0x73: {  	s1 =	rddreg [dreg:$0xa];
	[sflag:s17] =	ssyncset.done $0x0  }
0x74: {  	[sflag:s17] =	ssyncadd.s32 $0xFFFFCE00;
	s1 =	sadd.s32 s28, s1  }
0x75: {  	[hbm4b:s1+s3] =	stream.linear.scatter [tilespmem:s9], [sflag:$0x9], $0x3200, $0x38;
	[tilespmem:$0x1F400] =	vst v63  }
0x76: {  	_ =	swait.ge [sflag:s18], $0x3200  }
0x77: {  	s1 =	rddreg [dreg:$0x9];
	[sflag:s18] =	ssyncset.done $0x0  }
0x78: {  	[sflag:s18] =	ssyncadd.s32 $0xFFFFCE00;
	s1 =	sadd.s32 s28, s1  }
0x79: {  	[hbm4b:s1+s3] =	stream.linear.scatter [tilespmem:s10], [sflag:$0x9], $0x3200, $0x38;
	[tilespmem:$0x1F400] =	vst v63  }
0x7a: {  	_ =	swait.ge [sflag:s19], $0x3200  }
0x7b: {  	s1 =	rddreg [dreg:$0x8];
	[sflag:s19] =	ssyncset.done $0x0  }
0x7c: {  	[sflag:s19] =	ssyncadd.s32 $0xFFFFCE00;
	s1 =	sadd.s32 s28, s1  }
0x7d: {  	[hbm4b:s1+s3] =	stream.linear.scatter [tilespmem:s11], [sflag:$0x9], $0x3200, $0x38;
	[tilespmem:$0x1F400] =	vst v63  }
0x7e: {  	_ =	swait.ge [sflag:s20], $0x3200  }
0x7f: {  	s1 =	rddreg [dreg:$0x7];
	[sflag:s20] =	ssyncset.done $0x0  }
0x80: {  	[sflag:s20] =	ssyncadd.s32 $0xFFFFCE00;
	s1 =	sadd.s32 s28, s1  }
0x81: {  	[hbm4b:s1+s3] =	stream.linear.scatter [tilespmem:s12], [sflag:$0x9], $0x3200, $0x38;
	[tilespmem:$0x1F400] =	vst v63  }
0x82: {  	_ =	swait.ge [sflag:s21], $0x3200  }
0x83: {  	s1 =	rddreg [dreg:$0x6];
	[sflag:s21] =	ssyncset.done $0x0  }
0x84: {  	[sflag:s21] =	ssyncadd.s32 $0xFFFFCE00;
	s1 =	sadd.s32 s28, s1  }
0x85: {  	[hbm4b:s1+s3] =	stream.linear.scatter [tilespmem:s13], [sflag:$0x9], $0x3200, $0x38;
	[tilespmem:$0x1F400] =	vst v63  }
0x86: {  	_ =	swait.ge [sflag:s22], $0x3200  }
0x87: {  	s1 =	rddreg [dreg:$0x5];
	[sflag:s22] =	ssyncset.done $0x0  }
0x88: {  	[sflag:s22] =	ssyncadd.s32 $0xFFFFCE00;
	s1 =	sadd.s32 s28, s1  }
0x89: {  	[hbm4b:s1+s3] =	stream.linear.scatter [tilespmem:s14], [sflag:$0x9], $0x3200, $0x38;
	[tilespmem:$0x1F400] =	vst v63  }
0x8a: {  	_ =	swait.ge [sflag:s23], $0x3200  }
0x8b: {  	s1 =	rddreg [dreg:$0x4];
	[sflag:s23] =	ssyncset.done $0x0  }
0x8c: {  	[sflag:s23] =	ssyncadd.s32 $0xFFFFCE00;
	s1 =	sadd.s32 s28, s1  }
0x8d: {  	[hbm4b:s1+s3] =	stream.linear.scatter [tilespmem:s15], [sflag:$0x9], $0x3200, $0x38;
	[tilespmem:$0x1F400] =	vst v63  }
0x8e: {  	_ =	swait.ge [sflag:s24], $0x3200  }
0x8f: {  	s1 =	rddreg [dreg:$0x3];
	[sflag:s24] =	ssyncset.done $0x0  }
0x90: {  	[sflag:s24] =	ssyncadd.s32 $0xFFFFCE00;
	s1 =	sadd.s32 s28, s1  }
0x91: {  	[hbm4b:s1+s3] =	stream.linear.scatter [tilespmem:s16], [sflag:$0x9], $0x3200, $0x38;
	[tilespmem:$0x1F400] =	vst v63  }
0x92: {  	_ =	swait.ge [sflag:s25], $0x3200  }
0x93: {  	[sflag:s25] =	ssyncset.done $0x0  }
0x94: {  	[sflag:s25] =	ssyncadd.s32 $0xFFFFCE00  }
0x95: {  	_ =	swait.ge [sflag:s25], $0x3200  }
0x96: {  	[sflag:s25] =	ssyncset.done $0x0  }
0x97: {  	[sflag:s25] =	ssyncadd.s32 $0xFFFFCE00  }
0x98: {  	_ =	swait.ge [sflag:s25], $0x3200  }
0x99: {  	[sflag:s25] =	ssyncset.done $0x0  }
0x9a: {  	[sflag:s25] =	ssyncadd.s32 $0xFFFFCE00  }
0x9b: {  	_ =	swait.ge [sflag:s25], $0x3200  }
0x9c: {  	[sflag:s25] =	ssyncset.done $0x0  }
0x9d: {  	[sflag:s25] =	ssyncadd.s32 $0xFFFFCE00  }
0x9e: {  	_ =	swait.ge [sflag:s25], $0x3200  }
0x9f: {  	[sflag:s25] =	ssyncset.done $0x0  }
0xa0: {  	[sflag:s25] =	ssyncadd.s32 $0xFFFFCE00  }
0xa1: {  	_ =	swait.ge [sflag:s25], $0x3200  }
0xa2: {  	[sflag:s25] =	ssyncset.done $0x0  }
0xa3: {  	[sflag:s25] =	ssyncadd.s32 $0xFFFFCE00  }
.Ltmp0:
0xa4: {  	_ =	swait.ge [sflag:s25], $0x3200;
	(pc) =	sbr.rel @p0 .LBB2_2-.Ltmp0, $4  }
0xa5: {  	[sflag:s25] =	ssyncset.done $0x0  }
0xa6: {  	[sflag:s25] =	ssyncadd.s32 $0xFFFFCE00  }
0xa7: {  	_ =	swait.ge [sflag:s25], $0x3200  }
0xa8: {  	s31 =	smov.u32 s30;
	s28 =	sadd.s32 $0x3200, s28;
	[sflag:s25] =	ssyncset.done $0x0  }
0xa9: {  	s1 =	sshra.s32 s29, $0x2;
	[sflag:s25] =	ssyncadd.s32 $0xFFFFCE00  }
0xaa: {  	[tilespmem:s9], [sflag:$0x1] =	stream.indirect.gather [hbm4b:s4+s8], $0x40, s1, s8, $0xb8;
	[tilespmem:$0x1F400] =	vst v63  }
0xab: {  	s29 =	sadd.s32 $0xC8, s1  }
0xac: {  	[tilespmem:s10], [sflag:$0x2] =	stream.indirect.gather [hbm4b:s4+s8], $0x40, s29, s8, $0xb8;
	[tilespmem:$0x1F400] =	vst v63  }
0xad: {  	s31 =	sadd.s32 $0x190, s1  }
0xae: {  	[tilespmem:s11], [sflag:$0x3] =	stream.indirect.gather [hbm4b:s4+s8], $0x40, s31, s8, $0xb8;
	[tilespmem:$0x1F400] =	vst v63  }
0xaf: {  	s30 =	sadd.s32 $0x258, s1  }
0xb0: {  	[tilespmem:s12], [sflag:$0x4] =	stream.indirect.gather [hbm4b:s4+s8], $0x40, s30, s8, $0xb8;
	[tilespmem:$0x1F400] =	vst v63  }
0xb1: {  	s31 =	sadd.s32 $0x320, s1  }
0xb2: {  	[tilespmem:s13], [sflag:$0x5] =	stream.indirect.gather [hbm4b:s4+s8], $0x40, s31, s8, $0xb8;
	[tilespmem:$0x1F400] =	vst v63  }
0xb3: {  	s30 =	sadd.s32 $0x3E8, s1  }
0xb4: {  	[tilespmem:s14], [sflag:$0x6] =	stream.indirect.gather [hbm4b:s4+s8], $0x40, s30, s8, $0xb8;
	[tilespmem:$0x1F400] =	vst v63  }
0xb5: {  	s31 =	sadd.s32 $0x4B0, s1  }
0xb6: {  	[tilespmem:s15], [sflag:$0x7] =	stream.indirect.gather [hbm4b:s4+s8], $0x40, s31, s8, $0xb8;
	[tilespmem:$0x1F400] =	vst v63  }
0xb7: {  	s1 =	sadd.s32 $0x578, s1  }
0xb8: {  	[tilespmem:s16], [sflag:$0x8] =	stream.indirect.gather [hbm4b:s4+s8], $0x40, s1, s8, $0xb8;
	[tilespmem:$0x1F400] =	vst v63  }
0xb9: {  	_ =	swait.ge [sflag:s17], $0x3200  }
0xba: {  	s30 =	rddreg [dreg:$0xa];
	[sflag:s17] =	ssyncset.done $0x0  }
0xbb: {  	[sflag:s17] =	ssyncadd.s32 $0xFFFFCE00;
	s1 =	sadd.s32 s28, s30  }
0xbc: {  	[hbm4b:s1+s3] =	stream.linear.scatter [tilespmem:s9], [sflag:$0x9], $0x3200, $0x38;
	[tilespmem:$0x1F400] =	vst v63  }
0xbd: {  	_ =	swait.ge [sflag:s18], $0x3200  }
0xbe: {  	s31 =	rddreg [dreg:$0x9];
	[sflag:s18] =	ssyncset.done $0x0  }
0xbf: {  	[sflag:s18] =	ssyncadd.s32 $0xFFFFCE00;
	s1 =	sadd.s32 s28, s31  }
0xc0: {  	[hbm4b:s1+s3] =	stream.linear.scatter [tilespmem:s10], [sflag:$0x9], $0x3200, $0x38;
	[tilespmem:$0x1F400] =	vst v63  }
0xc1: {  	_ =	swait.ge [sflag:s19], $0x3200  }
0xc2: {  	s29 =	rddreg [dreg:$0x8];
	[sflag:s19] =	ssyncset.done $0x0  }
0xc3: {  	[sflag:s19] =	ssyncadd.s32 $0xFFFFCE00;
	s1 =	sadd.s32 s28, s29  }
0xc4: {  	[hbm4b:s1+s3] =	stream.linear.scatter [tilespmem:s11], [sflag:$0x9], $0x3200, $0x38;
	[tilespmem:$0x1F400] =	vst v63  }
0xc5: {  	_ =	swait.ge [sflag:s20], $0x3200  }
0xc6: {  	s30 =	rddreg [dreg:$0x7];
	[sflag:s20] =	ssyncset.done $0x0  }
0xc7: {  	[sflag:s20] =	ssyncadd.s32 $0xFFFFCE00;
	s1 =	sadd.s32 s28, s30  }
0xc8: {  	[hbm4b:s1+s3] =	stream.linear.scatter [tilespmem:s12], [sflag:$0x9], $0x3200, $0x38;
	[tilespmem:$0x1F400] =	vst v63  }
0xc9: {  	_ =	swait.ge [sflag:s21], $0x3200  }
0xca: {  	s31 =	rddreg [dreg:$0x6];
	[sflag:s21] =	ssyncset.done $0x0  }
0xcb: {  	[sflag:s21] =	ssyncadd.s32 $0xFFFFCE00;
	s1 =	sadd.s32 s28, s31  }
0xcc: {  	[hbm4b:s1+s3] =	stream.linear.scatter [tilespmem:s13], [sflag:$0x9], $0x3200, $0x38;
	[tilespmem:$0x1F400] =	vst v63  }
0xcd: {  	_ =	swait.ge [sflag:s22], $0x3200  }
0xce: {  	s29 =	rddreg [dreg:$0x5];
	[sflag:s22] =	ssyncset.done $0x0  }
0xcf: {  	[sflag:s22] =	ssyncadd.s32 $0xFFFFCE00;
	s1 =	sadd.s32 s28, s29  }
0xd0: {  	[hbm4b:s1+s3] =	stream.linear.scatter [tilespmem:s14], [sflag:$0x9], $0x3200, $0x38;
	[tilespmem:$0x1F400] =	vst v63  }
0xd1: {  	_ =	swait.ge [sflag:s23], $0x3200  }
0xd2: {  	s30 =	rddreg [dreg:$0x4];
	[sflag:s23] =	ssyncset.done $0x0  }
0xd3: {  	[sflag:s23] =	ssyncadd.s32 $0xFFFFCE00;
	s1 =	sadd.s32 s28, s30  }
0xd4: {  	[hbm4b:s1+s3] =	stream.linear.scatter [tilespmem:s15], [sflag:$0x9], $0x3200, $0x38;
	[tilespmem:$0x1F400] =	vst v63  }
0xd5: {  	_ =	swait.ge [sflag:s24], $0x3200  }
0xd6: {  	s31 =	rddreg [dreg:$0x3];
	[sflag:s24] =	ssyncset.done $0x0  }
0xd7: {  	[sflag:s24] =	ssyncadd.s32 $0xFFFFCE00;
	s1 =	sadd.s32 s28, s31  }
0xd8: {  	[hbm4b:s1+s3] =	stream.linear.scatter [tilespmem:s16], [sflag:$0x9], $0x3200, $0x38;
	[tilespmem:$0x1F400] =	vst v63  }
0xd9: {  	_ =	swait.ge [sflag:s25], $0x3200  }
0xda: {  	[sflag:s25] =	ssyncset.done $0x0  }
0xdb: {  	[sflag:s25] =	ssyncadd.s32 $0xFFFFCE00  }
0xdc: {  	_ =	swait.ge [sflag:s25], $0x3200  }
0xdd: {  	[sflag:s25] =	ssyncset.done $0x0  }
0xde: {  	[sflag:s25] =	ssyncadd.s32 $0xFFFFCE00  }
0xdf: {  	_ =	swait.ge [sflag:s25], $0x3200  }
0xe0: {  	[sflag:s25] =	ssyncset.done $0x0  }
0xe1: {  	[sflag:s25] =	ssyncadd.s32 $0xFFFFCE00  }
0xe2: {  	_ =	swait.ge [sflag:s25], $0x3200  }
0xe3: {  	[sflag:s25] =	ssyncset.done $0x0  }
0xe4: {  	[sflag:s25] =	ssyncadd.s32 $0xFFFFCE00  }
0xe5: {  	_ =	swait.ge [sflag:s25], $0x3200  }
0xe6: {  	[sflag:s25] =	ssyncset.done $0x0  }
0xe7: {  	[sflag:s25] =	ssyncadd.s32 $0xFFFFCE00  }
0xe8: {  	_ =	swait.ge [sflag:s25], $0x3200  }
0xe9: {  	[sflag:s25] =	ssyncset.done $0x0  }
0xea: {  	s26 =	sadd.s32 $0x1, s26;
	[sflag:s25] =	ssyncadd.s32 $0xFFFFCE00  }
0xeb: {  	p0 =	sne.s32 s26, s6;
	_ =	swait.ge [sflag:s25], $0x3200  }
.Ltmp1:
0xec: {  	[sflag:s25] =	ssyncset.done $0x0;
	(pc) =	sbr.rel @p0 .LBB2_1-.Ltmp1, $4  }
0xed: {  	[sflag:s25] =	ssyncadd.s32 $0xFFFFCE00  }
0xee: {  	_ =	swait.ge [sflag:s25], $0x3200  }
0xef: {  	[sflag:s25] =	ssyncset.done $0x0  }
0xf0: {  	[sflag:s25] =	ssyncadd.s32 $0xFFFFCE00  }
0xf1: {  	_ =	sfence.sel $0x180000  }
0xf2: {  	[bflag:$0x0] =	sbarrier.arrive $0xFFFF  }
0xf3: {  	_ =	strace $0x90000047  }
0xf4: {  	[bflag:$0x2] =	sbarrier.arrive $0xFFFF  }
0xf5: {  	p0 =	sne.s32 s0, $0x0;
	s0 =	rddreg [dreg:$0x2]  }
0xf6: {  	s0 =	sadd.s32 @!p0 $0x100000, s0  }
0xf7: {  	[sflag:s0] =	ssyncadd.tile.s32 @!p0 $0x1;
	_ =	shalt  }
.Lfunc_end2:
_tile_overlayer_lowered:
.L_overlay_start_2:
0xf8: {  	(tag) =	ssettag $0x2  }
0xf9: {  	s0 =	rddreg [dreg:$0x0];
	s2 =	stileid.u32  }
0xfa: {  	s1 =	rddreg [dreg:$0x1];
	p0 =	sne.s32 s2, $0x0  }
0xfb: {  	s3 =	rddreg [dreg:$0x2];
	[bflag:$0x3] =	sbarrier.arrive $0xFFFF;
	s2 =	simm.s32 @!p0 $0x1C0A  }
0xfc: {  	[timem:s3], [sflag:s2] =	dma.local @!p0 [hbm:s0], s1  }
0xfd: {  	s0 =	simm.s32 @!p0 $0xA  }
0xfe: {  	_ =	swait.ge @!p0 [sflag:s0], s1  }
0xff: {  	s1 =	ssub.s32 @!p0 $0x0, s1;
	[sflag:s0] =	ssyncset.done @!p0 $0x0  }
0x100: {  	[sflag:s0] =	ssyncadd.s32 @!p0 s1  }
0x101: {  	[bflag:$0x3] =	sbarrier.arrive $0xFFFF  }
0x102: {  	_ =	shalt  }

// kernel: sparse-core-data-format-call.cloned.1.call-start
scs
called_computation_lowered:
.L_overlay_start_0:
0x0: {  	s2 =	sld [smem:$0x3FD9]  }
0x1: {  	s3 =	sld [smem:$0x3FFE];
	_ =	sdelay $0x1  }
0x2: {  	s1 =	srdreg.scid  }
0x3: {  	s0 =	sand.u32 $0x1, s1  }
0x4: {  	s18 =	sshll.u32 s0, $0xA;
	s2 =	sadd.s32 s3, s2  }
0x5: {  	s2 =	sadd.s32 s2, s18  }
0x6: {  	[smem:$0x3FC6] =	sst s2  }
0x7: {  	_ = 	snop  }
0x8: {  	s2 =	sld [smem:$0x3FD0];
	(tm) =	ssettm $0x1  }
0x9: {  	s19 =	sld [smem:$0x3FFB];
	_ =	sdelay $0x3  }
0xa: {  	_ =	strace s19  }
0xb: {  	s3 =	sld [smem:$0x3FFC];
	_ =	sdelay $0x3  }
0xc: {  	_ =	strace s3  }
0xd: {  	s3 =	sld [smem:$0x3FFD];
	_ =	sdelay $0x3  }
0xe: {  	_ =	strace s3  }
0xf: {  	_ =	strace $0x8FFFFFFF  }
0x10: {  	s20 =	sld [smem:$0x3FDB];
	_ =	sdelay $0x1  }
0x11: {  	s4 =	simm.s32 $_scs_section_size  }
0x12: {  	s5 =	simm.s32 $_size__tile_overlayer_lowered;
	s6 =	simm.s32 $_tile_overlayer_lowered  }
0x13: {  	s23 =	simm.s32 $0x1BFF;
	s22 =	sshll.u32 s6, $0x1;
	s3 =	sadd.s32 s4, s20  }
0x14: {  	s7 =	simm.s32 $0x0;
	s21 =	sshll.u32 s5, $0x1;
	s5 =	sadd.s32 s22, s3  }
0x15: {  	[timem:s7], [sflag:s23] =	dma.local [hbm:s5], s21  }
0x16: {  	_ =	swait.ge [sflag:s23], s21  }
0x17: {  	s4 =	ssub.s32 $0x0, s21;
	[sflag:s23] =	ssyncset.done $0x0  }
0x18: {  	[sflag:s23] =	ssyncadd.s32 s4;
	_ =	sdelay $0x1  }
0x19: {  	s24 =	simm.s32 $0x1B8B  }
0x1a: {  	_ =	swait.ge [sflag:s24], $0x1  }
0x1b: {  	[sflag:s24] =	ssyncset.done $0x0  }
0x1c: {  	s26 =	simm.s32 $0x1B8E;
	s25 =	sld [smem:$0x3FFE];
	[sflag:s24] =	ssyncadd.s32 $0xFFFFFFFF  }
0x1d: {  	s27 =	simm.s32 $execute0_lowered;
	[smem:$0x3FD2] =	sst s26  }
0x1e: {  	s5 =	sshll.u32 s27, $0x1;
	_ =	strace $0x80000049;
	[dreg:$0x1] =	wrdreg $0xFFFFFFFF  }
0x1f: {  	s28 =	simm.s32 $_size_execute0_lowered;
	s3 =	sadd.s32 s3, s5;
	[dreg:$0x0] =	wrdreg $0x0  }
0x20: {  	s5 =	sshll.u32 s28, $0x1;
	[dreg:$0x2] =	wrdreg s3  }
0x21: {  	[dreg:$0x3] =	wrdreg s5  }
0x22: {  	[dreg:$0x4] =	wrdreg $0xC0  }
0x23: {  	_ =	task [dreg:s7], $0x5FFFF  }
0x24: {  	[dreg:$0x1] =	wrdreg $0xFFFFFFFF  }
0x25: {  	[dreg:$0x0] =	wrdreg $0x60  }
0x26: {  	[dreg:$0x2] =	wrdreg s25  }
0x27: {  	[dreg:$0x3] =	wrdreg s2  }
0x28: {  	[dreg:$0x4] =	wrdreg $0x9  }
0x29: {  	_ =	task.clear_ibuf [dreg:s7], $0x5FFFF;
	_ =	strace $0x90000049  }
0x2a: {  	s29 =	simm.s32 $0x9;
	_ =	strace $0x8000004B  }
0x2b: {  	_ =	swait.ge [sflag:s29], $0x1  }
0x2c: {  	[sflag:s29] =	ssyncadd.s32 $0xFFFFFFFF  }
0x2d: {  	_ =	strace $0x9000004B  }
0x2e: {  	_ =	sfence  }
0x2f: {  	s30 =	sld [smem:$0x0];
	_ =	sdelay $0x2  }
0x30: {  	s31 =	sshll.u32 s1, $0xD;
	s1 =	sshrl.u32 s1, $0x2  }
0x31: {  	s3 =	sand.u32 $0x4000, s31;
	s1 =	sadd.s32 s1, s30  }
0x32: {  	s0 =	sor.u32 s3, s0;
	s1 =	sshll.u32 s1, $0x11  }
0x33: {  	s0 =	sor.u32 s1, s0  }
0x34: {  	s0 =	sadd.s32 $0x8F2B, s0  }
0x35: {  	[sflag:s0] =	ssyncadd.remote.s32 $0x1  }
0x36: {  	_ =	sfence.sel $0xFFFF  }
0x37: {  	[dreg:$0x0] =	wrdreg $0xFFFFFFFF;
	(pc) =	sbr.abs _section_cstart, $3  }
0x38: {  	[dreg:$0x1] =	wrdreg $0xFFFFFFFF  }
0x39: {  	_ =	task.clear_ibuf [dreg:s7], $0x2FFFF;
	_ =	strace $0x9FFFFFFF  }
0x3a: {  	(tm) =	ssettm $0x7FFFFFFF  }
0x3b: {  	_ =	shalt  }
tec
execute0_lowered:
.L_overlay_start_1:
0x0: {  	(tag) =	ssettag $0x1  }
0x1: {  	s0 =	srdreg.scid  }
0x2: {  	s1 =	sshll.u32 s0, $0x4  }
0x3: {  	s0 =	stileid.u32;
	s1 =	sand.u32 $0x10, s1  }
0x4: {  	s1 =	sor.u32 s0, s1  }
0x5: {  	s6 =	rddreg [dreg:$0x0];
	s4 =	simm.s32 $0x1;
	s2 =	sshll.u32 s1, $0x7  }
0x6: {  	s7 =	simm.s32 $0x2;
	s12 =	simm.s32 $0x0;
	s1 =	ssub.s32 $0x1000, s2  }
0x7: {  	s8 =	simm.s32 $0x8000;
	s13 =	simm.s32 $0x0;
	s3 =	sand.u32 $0xF80, s1  }
0x8: {  	s9 =	simm.s32 $0x0;
	s5 =	sshrl.u32 s1, $0xC;
	p0 =	sne.s32 s3, $0x0  }
.Ltmp0:
0x9: {  	s1 =	rddreg [dreg:$0x2];
	s4 =	simm.s32 @!p0 $0x0;
	(pc) =	sbr.rel .LBB1_1-.Ltmp0, $4  }
0xa: {  	s11 =	simm.s32 $0x0;
	s3 =	rddreg [dreg:$0x1];
	s5 =	sadd.s32 s4, s5  }
0xb: {  	_ =	strace $0x8000004A;
	s4 =	simm.s32 $0x1;
	s5 =	smul.u32 $0xC8, s5  }
0xc: {  	s6 =	sadd.s32 $0xA00, s6;
	s10 =	smov.u32 s2;
	[sflag:s4] =	ssyncpa.u1 $0x0  }
0xd: {  	p0 =	por $0x0, $0x0;
	[sflag:s7] =	ssyncpa.u1 $0x0;
	s7 =	sor.u32 $0x1, s5  }
.LBB1_4:
0xe: {  	s16 =	sshll.u32 s13, $0x3;
	s17 =	sand.u32 $0x78, s13  }
0xf: {  	s30 =	sand.u32 $0x7E00, s13;
	s12 =	sshll.u32 s12, $0xF;
	s16 =	sand.u32 $0xC00, s16  }
0x10: {  	[tilespmem:s15+$0x810 ss:$0x81] =	vst.msk $0xffff, v2;
	s31 =	sand.u32 $0x7, s13;
	s16 =	sor.u32 s17, s16;
	s17 =	sadd.s32 s3, s30  }
0x11: {  	[tilespmem:s15+$0x1020 ss:$0x81] =	vst.msk $0xffff, v0;
	s13 =	sshll.u32 s31, $0x12;
	s12 =	sadd.s32 s12, s17;
	s16 =	sshrl.u32 s16, $0x3  }
0x12: {  	[tilespmem:s15+$0x0 ss:$0x81] =	vst.msk $0xffff, v1;
	s13 =	sor.u32 $0x400, s13;
	s12 =	sadd.s32 s16, s12  }
0x13: {  	[hbm4b:s12+s13] =	stream.strided.scatter [tilespmem:s14], [sflag:$0x2], $0x2000, s8, s13, $0x20;
	[tilespmem:$0x8080] =	vst v63  }
.LBB1_5:
0x14: {  	s14 =	sadd.s32 $0x1, s9  }
0x15: {  	s12 =	sadd.s32 $0x1000, s10;
	s16 =	smov.u32 s10;
	p2 =	sgt.s32 s14, $0xC7  }
0x16: {  	s16 =	smov.u32 @p2 s12  }
0x17: {  	s14 =	simm.s32 @p2 $0x0;
	p2 =	sgt.s32 s16, $0xFFF  }
0x18: {  	s16 =	smov.u32 @p2 s2;
	p2 =	sne.s32 s11, s7  }
.Ltmp1:
0x19: {  	p1 =	slt.u32 s11, $0x2;
	(pc) =	sbr.rel @!p2 .LBB1_6-.Ltmp1, $4  }
0x1a: {  	s15 =	simm.s32 @!p1 $0x2  }
0x1b: {  	s13 =	smov.u32 s10;
	p0 =	por !p0, !p0;
	_ =	swait.ge @!p1 [sflag:s15], $0x2000  }
0x1c: {  	s12 =	smov.u32 s9;
	[sflag:s15] =	ssyncset.done @!p1 $0x0;
	s9 =	smov.u32 s14  }
0x1d: {  	s11 =	sadd.s32 $0x1, s11;
	[sflag:s15] =	ssyncadd.s32 @!p1 $0xFFFFE000;
	s10 =	smov.u32 s16  }
.LBB1_1:
0x1e: {  	p1 =	sge.u32 s11, s5  }
0x1f: {  	s14 =	sand.u32 @!p1 $0x1FFFFFF, s9  }
0x20: {  	s15 =	smulhi.u32 @!p1 $0x147AE15, s14;
	_ =	sdelay $0x1  }
0x21: {  	s15 =	smul.u32 @!p1 $0xC8, s15  }
0x22: {  	s16 =	sxor.u32 @!p1 $0xFFFFFFFF, s11;
	s17 =	smul.u32 @!p1 $0xC80, s10  }
0x23: {  	s31 =	sadd.s32 $0xFFFFFFFF, s11;
	s16 =	sshll.u32 @!p1 s16, $0xD;
	s14 =	ssub.s32 @!p1 s14, s15  }
0x24: {  	s15 =	sand.u32 @!p1 $0x2000, s16;
	s16 =	sadd.s32 @!p1 s6, s17;
	s14 =	sshll.u32 @!p1 s14, $0x4  }
0x25: {  	s17 =	simm.s32 @!p1 $0x6400;
	s14 =	sadd.s32 @!p1 s14, s16;
	s16 =	simm.s32 @!p1 $0x40  }
0x26: {  	[tilespmem:s15], [sflag:$0x1] =	stream.strided.gather @!p1 [hbm4b:s14+s16], $0x2000, s17, s16, $0x38;
	[tilespmem:$0x8080] =	vst v63  }
0x27: {  	p1 =	sge.u32 s31, s5  }
.Ltmp2:
0x28: {  	_ = 	snop;
	(pc) =	sbr.rel @p1 .LBB1_5-.Ltmp2, $1  }
0x29: {  	_ =	sdelay $0x3  }
0x2a: {  	s14 =	simm.s32 $0x1  }
0x2b: {  	_ =	swait.ge [sflag:s4], $0x2000;
	s14 =	simm.s32 @!p0 $0x0  }
0x2c: {  	[sflag:s4] =	ssyncset.done $0x0;
	s15 =	sshll.u32 s14, $0xD  }
0x2d: {  	[sflag:s4] =	ssyncadd.s32 $0xFFFFE000;
	s18 =	sor.u32 $0x20, s15  }
0x2e: {  	s14 =	smul.u32 $0x8100, s14;
	v3 =	vld [tilespmem:s18+$0x10]  }
0x2f: {  	s30 =	sand.u32 $0x1, s11;
	v2 =	vld [tilespmem:s18+$0xFFFFFFF0]  }
0x30: {  	s15 =	smul.u32 $0x8100, s30;
	s14 =	sshrl.u32 s14, $0x2;
	v0 =	vld [tilespmem:s18+$0x0]  }
0x31: {  	v1 =	vld [tilespmem:s18+$0xFFFFFFE0];
	s16 =	sor.u32 $0x4000, s14  }
0x32: {  	s31 =	sshrl.u32 s15, $0x2;
	s15 =	sadd.s32 $0x0, s16  }
0x33: {  	s17 =	simm.s32 $0x4;
	s18 =	sadd.s32 $0x40, s18;
	s14 =	sor.u32 $0x4000, s31;
	[tilespmem:s15+$0x1830 ss:$0x81] =	vst.msk $0xffff, v3  }
.LBB1_3:
0x34: {  	v3 =	vld [tilespmem:s18+$0x10];
	p1 =	sne.s32 s17, $0x1FC;
	[tilespmem:s15+$0x810 ss:$0x81] =	vst.msk $0xffff, v2;
	s19 =	smov.u32 s17;
	s17 =	sadd.s32 $0x4, s17  }
.Ltmp3:
0x35: {  	v2 =	vld [tilespmem:s18+$0xFFFFFFF0];
	[tilespmem:s15+$0x1020 ss:$0x81] =	vst.msk $0xffff, v0;
	(pc) =	sbr.rel @p1 .LBB1_3-.Ltmp3, $4  }
0x36: {  	v0 =	vld [tilespmem:s18+$0x0];
	[tilespmem:s15+$0x0 ss:$0x81] =	vst.msk $0xffff, v1  }
0x37: {  	s15 =	sshra.s32 s19, $0x2;
	v1 =	vld [tilespmem:s18+$0xFFFFFFE0]  }
0x38: {  	s15 =	sadd.s32 s15, s16  }
0x39: {  	s18 =	sadd.s32 $0x40, s18;
	[tilespmem:s15+$0x1830 ss:$0x81] =	vst.msk $0xffff, v3  }
.Ltmp4:
0x3a: {  	_ = 	snop;
	(pc) =	sbr.rel .LBB1_4-.Ltmp4, $1  }
0x3b: {  	_ =	sdelay $0x3  }
.LBB1_6:
0x3c: {  	_ =	sfence.sel $0x180000  }
0x3d: {  	s2 =	simm.s32 $0x1;
	[bflag:$0x0] =	sbarrier.arrive $0xFFFF  }
0x3e: {  	s31 =	simm.s32 $0x2;
	[sflag:s2] =	ssyncpa.u1 $0x1  }
0x3f: {  	[sflag:s31] =	ssyncpa.u1 $0x1  }
0x40: {  	p0 =	sne.s32 s0, $0x0;
	_ =	strace $0x9000004A  }
0x41: {  	s0 =	sadd.s32 @!p0 $0x100000, s1;
	[bflag:$0x2] =	sbarrier.arrive $0xFFFF  }
0x42: {  	[sflag:s0] =	ssyncadd.tile.s32 @!p0 $0x1;
	_ =	shalt  }
.Lfunc_end1:
_tile_overlayer_lowered:
.L_overlay_start_2:
0x43: {  	(tag) =	ssettag $0x2  }
0x44: {  	s0 =	rddreg [dreg:$0x0];
	s2 =	stileid.u32  }
0x45: {  	s1 =	rddreg [dreg:$0x1];
	p0 =	sne.s32 s2, $0x0  }
0x46: {  	s3 =	rddreg [dreg:$0x2];
	[bflag:$0x3] =	sbarrier.arrive $0xFFFF;
	s2 =	simm.s32 @!p0 $0x1C01  }
0x47: {  	[timem:s3], [sflag:s2] =	dma.local @!p0 [hbm:s0], s1  }
0x48: {  	s0 =	simm.s32 @!p0 $0x1  }
0x49: {  	_ =	swait.ge @!p0 [sflag:s0], s1  }
0x4a: {  	s1 =	ssub.s32 @!p0 $0x0, s1;
	[sflag:s0] =	ssyncset.done @!p0 $0x0  }
0x4b: {  	[sflag:s0] =	ssyncadd.s32 @!p0 s1  }
0x4c: {  	[bflag:$0x3] =	sbarrier.arrive $0xFFFF  }
0x4d: {  	_ =	shalt  }

</sc_bundles>
